<compile_context>
chip_gen: v7x
topology: tpu7x:2x2x1
jax: 0.10.2.dev20260603
libtpu: 0.0.44.dev20260713+nightly
codegen_flags: <defaults>
</compile_context>

<pallas_src>
import functools

import jax
import jax.numpy as jnp
from jax import lax
from jax.experimental import pallas as pl
from jax.experimental.pallas import tpu as pltpu
from jax.experimental.pallas import tpu_sc as plsc

B, S, D = 1, 2048, 1024
H, KVH, DH = 16, 4, 64
E, K, F = 8, 2, 1024
EPS = 1e-5
ALPHA = 1.702
LIMIT = 7.0
SCALE = DH ** -0.5
_PREC = lax.Precision.DEFAULT

BS = 256
NB = S // BS
BQ = 512
BK = 512
NQ = S // BQ
NK = S // BK
BT = 256
NSLOT = S * K + E * BT
NBLK = NSLOT // BT
QD = H * DH
KD = KVH * DH

SC_NC = 2
SC_NS = 16
SC_NW = SC_NC * SC_NS
SC_CHUNK = 64



def _qkv_body(x_ref, w1_ref, w_ref, cq_ref, sq_ref, ck_ref, sk_ref,
              tq_ref, tk_ref, vb_ref, q_ref, k_ref, v_ref):
    x = x_ref[...]
    rs = lax.rsqrt(jnp.mean(x * x, axis=1, keepdims=True) + EPS)
    xn = x * rs * w1_ref[...]
    qkv = jnp.dot(xn, w_ref[...], preferred_element_type=jnp.float32,
                  precision=_PREC)
    qa = qkv[:, :QD]
    qb = qkv[:, QD:2 * QD]
    ka = qkv[:, 2 * QD:2 * QD + KD]
    kb = qkv[:, 2 * QD + KD:2 * QD + 2 * KD]
    v = qkv[:, 2 * QD + 2 * KD:]
    q = qa * cq_ref[...] + qb * sq_ref[...] + tq_ref[...]
    k = ka * ck_ref[...] + kb * sk_ref[...] + tk_ref[...]
    v = v + vb_ref[...]
    q_ref[...] = (q * SCALE).reshape(BS, H, DH).transpose(1, 0, 2)
    k_ref[...] = k.reshape(BS, KVH, DH).transpose(1, 0, 2)
    v_ref[...] = v.reshape(BS, KVH, DH).transpose(1, 0, 2)


def _run_qkv(x2d, norm1_w, wqkv, cq, sq, ck, sk, tq, tk, v_b):
    full = lambda a: pl.BlockSpec(a.shape, lambda i: (0,) * a.ndim)
    blk = lambda w: pl.BlockSpec((BS, w), lambda i: (i, 0))
    return pl.pallas_call(
        _qkv_body,
        grid=(NB,),
        in_specs=[blk(D), full(norm1_w), full(wqkv),
                  blk(QD), blk(QD), blk(KD), blk(KD),
                  blk(QD), blk(KD), full(v_b)],
        out_specs=[pl.BlockSpec((H, BS, DH), lambda i: (0, i, 0)),
                   pl.BlockSpec((KVH, BS, DH), lambda i: (0, i, 0)),
                   pl.BlockSpec((KVH, BS, DH), lambda i: (0, i, 0))],
        out_shape=[jax.ShapeDtypeStruct((H, S, DH), jnp.float32),
                   jax.ShapeDtypeStruct((KVH, S, DH), jnp.float32),
                   jax.ShapeDtypeStruct((KVH, S, DH), jnp.float32)],
    )(x2d, norm1_w, wqkv, cq, sq, ck, sk, tq, tk, v_b)



def _flash_body(q_ref, k_ref, v_ref, sink_ref, o_ref):
    h = pl.program_id(0)
    qb = pl.program_id(1)
    q = q_ref[0]
    kd = k_ref[0, pl.ds(qb * BQ, BK), :]
    vd = v_ref[0, pl.ds(qb * BQ, BK), :]
    s = lax.dot_general(q, kd, (((1,), (1,)), ((), ())),
                        preferred_element_type=jnp.float32,
                        precision=_PREC)
    rows = lax.broadcasted_iota(jnp.int32, (BQ, BK), 0)
    cols = lax.broadcasted_iota(jnp.int32, (BQ, BK), 1)
    s = jnp.where(cols <= rows, s, -1e30)
    m0 = jnp.max(s, axis=1, keepdims=True)
    p = jnp.exp(s - m0)
    l0 = jnp.sum(p, axis=1, keepdims=True)
    acc0 = lax.dot_general(p, vd, (((1,), (0,)), ((), ())),
                           preferred_element_type=jnp.float32,
                           precision=_PREC)

    def body(kb, carry):
        m, l, acc = carry
        kk = k_ref[0, pl.ds(kb * BK, BK), :]
        vv = v_ref[0, pl.ds(kb * BK, BK), :]
        s = lax.dot_general(q, kk, (((1,), (1,)), ((), ())),
                            preferred_element_type=jnp.float32,
                            precision=_PREC)
        m_new = jnp.maximum(m, jnp.max(s, axis=1, keepdims=True))
        p = jnp.exp(s - m_new)
        alpha = jnp.exp(m - m_new)
        l = l * alpha + jnp.sum(p, axis=1, keepdims=True)
        acc = acc * alpha + lax.dot_general(
            p, vv, (((1,), (0,)), ((), ())),
            preferred_element_type=jnp.float32, precision=_PREC)
        return m_new, l, acc

    m, l, acc = lax.fori_loop(0, qb, body, (m0, l0, acc0))
    sink = sink_ref[0, h]
    m_fin = jnp.maximum(m, sink)
    corr = jnp.exp(m - m_fin)
    l_fin = l * corr + jnp.exp(sink - m_fin)
    o_ref[0] = acc * corr / l_fin


def _run_flash(q, k, v, sinks2d):
    return pl.pallas_call(
        _flash_body,
        grid=(H, NQ),
        in_specs=[
            pl.BlockSpec((1, BQ, DH), lambda h, qb: (h, qb, 0)),
            pl.BlockSpec((1, S, DH), lambda h, qb: (h // (H // KVH), 0, 0)),
            pl.BlockSpec((1, S, DH), lambda h, qb: (h // (H // KVH), 0, 0)),
            pl.BlockSpec(memory_space=pltpu.SMEM),
        ],
        out_specs=pl.BlockSpec((1, BQ, DH), lambda h, qb: (h, qb, 0)),
        out_shape=jax.ShapeDtypeStruct((H, S, DH), jnp.float32),
    )(q, k, v, sinks2d)



def _oproj_body(a_ref, wo_ref, ob_ref, x_ref, w2_ref, wg_ref, gb_ref,
                h_ref, hn_ref, lg_ref):
    attn = a_ref[...].transpose(1, 0, 2).reshape(BS, QD)
    a = jnp.dot(attn, wo_ref[...], preferred_element_type=jnp.float32,
                precision=_PREC)
    hid = a + ob_ref[...] + x_ref[...]
    h_ref[...] = hid
    rs = lax.rsqrt(jnp.mean(hid * hid, axis=1, keepdims=True) + EPS)
    hn = hid * rs * w2_ref[...]
    hn_ref[...] = hn
    lg_ref[...] = jnp.dot(hn, wg_ref[...],
                          preferred_element_type=jnp.float32,
                          precision=_PREC) + gb_ref[...]


def _run_oproj(attn, wo, o_b, x2d, norm2_w, wg_pad, gb_pad):
    full = lambda a: pl.BlockSpec(a.shape, lambda i: (0,) * a.ndim)
    blk = lambda w: pl.BlockSpec((BS, w), lambda i: (i, 0))
    return pl.pallas_call(
        _oproj_body,
        grid=(NB,),
        in_specs=[pl.BlockSpec((H, BS, DH), lambda i: (0, i, 0)),
                  full(wo), full(o_b), blk(D), full(norm2_w),
                  full(wg_pad), full(gb_pad)],
        out_specs=[blk(D), blk(D), blk(128)],
        out_shape=[jax.ShapeDtypeStruct((S, D), jnp.float32),
                   jax.ShapeDtypeStruct((S, D), jnp.float32),
                   jax.ShapeDtypeStruct((S, 128), jnp.float32)],
    )(attn, wo, o_b, x2d, norm2_w, wg_pad, gb_pad)



def _make_sc_gather(n_rows, d, dtype):
    rows_pw = n_rows // SC_NW
    n_chunks = 1
    while rows_pw // n_chunks > 124 or rows_pw % n_chunks:
        n_chunks += 1
    chunk = rows_pw // n_chunks
    assert chunk % 8 == 0 and n_rows % SC_NW == 0
    mesh = plsc.VectorSubcoreMesh(core_axis_name="c", subcore_axis_name="s")

    @functools.partial(
        pl.kernel, mesh=mesh,
        out_type=jax.ShapeDtypeStruct((n_rows, d), dtype),
        scratch_types=[pltpu.VMEM((chunk,), jnp.int32),
                       pltpu.VMEM((chunk, d), dtype),
                       pltpu.SemaphoreType.DMA],
    )
    def gather(src_hbm, idx_hbm, out_hbm, idx_v, rows_v, sem):
        wid = lax.axis_index("s") * SC_NC + lax.axis_index("c")
        for c in range(n_chunks):
            base = wid * rows_pw + c * chunk
            pltpu.sync_copy(idx_hbm.at[pl.ds(base, chunk)], idx_v)
            pltpu.async_copy(src_hbm.at[idx_v], rows_v, sem).wait()
            pltpu.sync_copy(rows_v, out_hbm.at[pl.ds(base, chunk)])

    return gather



def _ffn_body(be_ref, x_ref, gp_ref, gpb_ref, up_ref, upb_ref,
              dp_ref, dpb_ref, sw_ref, y_ref):
    x = x_ref[...]
    g = jnp.dot(x, gp_ref[0], preferred_element_type=jnp.float32) + gpb_ref[0]
    u = jnp.dot(x, up_ref[0], preferred_element_type=jnp.float32) + upb_ref[0]
    g = jnp.minimum(g, LIMIT)
    u = jnp.clip(u, -LIMIT, LIMIT)
    glu = g / (1.0 + jnp.exp(-ALPHA * g))
    act = (u + 1.0) * glu
    dn = jnp.dot(act, dp_ref[0], preferred_element_type=jnp.float32) + dpb_ref[0]
    y_ref[...] = dn * sw_ref[0, 0, :][:, None]


def _run_ffn(x_sorted, block_expert, gp_w, gp_b, up_w, up_b, dp_w, dp_b, sw3):
    grid_spec = pltpu.PrefetchScalarGridSpec(
        num_scalar_prefetch=1,
        grid=(NBLK,),
        in_specs=[
            pl.BlockSpec((BT, D), lambda b, be: (b, 0)),
            pl.BlockSpec((1, D, F), lambda b, be: (be[b], 0, 0)),
            pl.BlockSpec((1, 1, F), lambda b, be: (be[b], 0, 0)),
            pl.BlockSpec((1, D, F), lambda b, be: (be[b], 0, 0)),
            pl.BlockSpec((1, 1, F), lambda b, be: (be[b], 0, 0)),
            pl.BlockSpec((1, F, D), lambda b, be: (be[b], 0, 0)),
            pl.BlockSpec((1, 1, D), lambda b, be: (be[b], 0, 0)),
            pl.BlockSpec((1, 1, BT), lambda b, be: (b, 0, 0)),
        ],
        out_specs=pl.BlockSpec((BT, D), lambda b, be: (b, 0)),
    )
    return pl.pallas_call(
        _ffn_body,
        grid_spec=grid_spec,
        out_shape=jax.ShapeDtypeStruct((NSLOT, D), jnp.float32),
    )(block_expert, x_sorted, gp_w, gp_b, up_w, up_b, dp_w, dp_b, sw3)



def _combine_body(h_ref, y1_ref, y2_ref, o_ref):
    o_ref[...] = h_ref[...] + y1_ref[...] + y2_ref[...]


def _run_combine(h2d, yg):
    blk = pl.BlockSpec((BS, D), lambda i: (i, 0))
    return pl.pallas_call(
        _combine_body,
        grid=(NB,),
        in_specs=[blk,
                  pl.BlockSpec((BS, D), lambda i: (i, 0)),
                  pl.BlockSpec((BS, D), lambda i: (i + NB, 0))],
        out_specs=blk,
        out_shape=jax.ShapeDtypeStruct((S, D), jnp.float32),
    )(h2d, yg, yg)



def _rot_cols(w):
    nh = w.shape[1] // DH
    w3 = w.reshape(w.shape[0], nh, DH)
    return jnp.concatenate([-w3[:, :, DH // 2:], w3[:, :, :DH // 2]],
                           axis=2).reshape(w.shape)


def _rot_vec(b):
    nh = b.shape[0] // DH
    b2 = b.reshape(nh, DH)
    return jnp.concatenate([-b2[:, DH // 2:], b2[:, :DH // 2]],
                           axis=1).reshape(-1)


def kernel(hidden_states, cos, sin, norm1_w, norm2_w, q_w, q_b, k_w, k_b,
           v_w, v_b, o_w, o_b, sinks, gate_w, gate_b, gp_w, gp_b, up_w,
           up_b, dp_w, dp_b):
    x2d = hidden_states.reshape(S, D)
    cos2 = cos.reshape(S, DH)
    sin2 = sin.reshape(S, DH)

    wq = q_w.T
    wk = k_w.T
    wv = v_w.T
    wqkv = jnp.concatenate(
        [wq, _rot_cols(wq), wk, _rot_cols(wk), wv], axis=1)
    cq = jnp.tile(cos2, (1, H))
    sq = jnp.tile(sin2, (1, H))
    ck = jnp.tile(cos2, (1, KVH))
    sk = jnp.tile(sin2, (1, KVH))
    tq = cq * q_b[None, :] + sq * _rot_vec(q_b)[None, :]
    tk = ck * k_b[None, :] + sk * _rot_vec(k_b)[None, :]

    q, k, v = _run_qkv(x2d, norm1_w.reshape(1, D), wqkv, cq, sq, ck, sk,
                       tq, tk, v_b.reshape(1, KD))

    attn = _run_flash(q, k, v, sinks.reshape(1, H))

    wg_pad = jnp.zeros((D, 128), jnp.float32).at[:, :E].set(gate_w.T)
    gb_pad = jnp.zeros((1, 128), jnp.float32).at[0, :E].set(gate_b)
    h2d, hn2d, lg_pad = _run_oproj(
        attn, o_w.T, o_b.reshape(1, D), x2d,
        norm2_w.reshape(1, D), wg_pad, gb_pad)

    logits = lg_pad[:, :E]
    tv, ti = lax.top_k(logits, K)
    tw = jax.nn.softmax(tv, axis=-1)
    expert_ids = ti.reshape(-1)
    pair_w = tw.reshape(-1)
    order = jnp.argsort(expert_ids)
    sorted_e = expert_ids[order]
    counts = jnp.sum(expert_ids[None, :] == jnp.arange(E)[:, None], axis=1)
    padded = ((counts + BT - 1) // BT) * BT
    pad_off = jnp.concatenate([jnp.zeros(1, jnp.int32),
                               jnp.cumsum(padded).astype(jnp.int32)])
    raw_off = jnp.concatenate([jnp.zeros(1, jnp.int32),
                               jnp.cumsum(counts).astype(jnp.int32)])
    slot_pos = pad_off[sorted_e] + (
        jnp.arange(S * K, dtype=jnp.int32) - raw_off[sorted_e])
    init_tw = jnp.stack(
        [(jnp.arange(NSLOT, dtype=jnp.int32) % S).astype(jnp.float32),
         jnp.zeros(NSLOT, jnp.float32)], axis=1)
    upd_tw = jnp.stack(
        [(order // K).astype(jnp.float32), pair_w[order]], axis=1)
    slot_tw = init_tw.at[slot_pos].set(upd_tw)
    slot_token = slot_tw[:, 0].astype(jnp.int32)
    slot_w = slot_tw[:, 1]
    inv_slot = jnp.zeros(S * K, jnp.int32).at[order].set(slot_pos)
    block_expert = jnp.clip(
        jnp.searchsorted(pad_off, jnp.arange(NBLK, dtype=jnp.int32) * BT,
                         side='right') - 1, 0, E - 1).astype(jnp.int32)

    x_sorted = _make_sc_gather(NSLOT, D, jnp.float32)(hn2d, slot_token)

    y = _run_ffn(x_sorted, block_expert,
                 gp_w, gp_b.reshape(E, 1, F),
                 up_w, up_b.reshape(E, 1, F),
                 dp_w, dp_b.reshape(E, 1, D),
                 slot_w.reshape(NBLK, 1, BT))

    inv2 = inv_slot.reshape(S, K)
    gidx = jnp.concatenate([inv2[:, 0], inv2[:, 1]])
    yg = _make_sc_gather(2 * S, D, jnp.float32)(y, gidx)

    out = _run_combine(h2d, yg)
    return out.reshape(B, S, D)

# --- scband reference (transcript-rebuilt; emitter-appended) ---
"""Pipeline reference for scband-gpt-oss-decoder-layer-76656576299584 (READ-ONLY COPY).

The authoritative reference and input builder live on the scoring server;
editing this copy changes nothing except your own understanding.
"""

import jax, jax.numpy as jnp
import numpy as np

B, S, D = 1, 2048, 1024
H, KVH, DH = 16, 4, 64
E, K, F = 8, 2, 1024
EPS = 1e-5
ALPHA = 1.702
LIMIT = 7.0
SCALE = DH ** -0.5


def setup_inputs(seed: int = 0) -> dict:
    key = jax.random.key(seed)
    ks = jax.random.split(key, 16)
    def rn(i, shape, s=0.02):
        return jax.random.normal(ks[i], shape, dtype=jnp.float32) * s
    hidden_states = jax.random.normal(ks[0], (B, S, D), dtype=jnp.float32)
    pos = jnp.arange(S, dtype=jnp.float32)
    inv_freq = 1.0 / (10000.0 ** (jnp.arange(0, DH, 2, dtype=jnp.float32) / DH))
    fr = pos[:, None] * inv_freq[None, :]
    emb = jnp.concatenate([fr, fr], axis=-1)
    cos = jnp.broadcast_to(jnp.cos(emb)[None], (B, S, DH)).astype(jnp.float32)
    sin = jnp.broadcast_to(jnp.sin(emb)[None], (B, S, DH)).astype(jnp.float32)
    return {
        "hidden_states": hidden_states, "cos": cos, "sin": sin,
        "norm1_w": jnp.ones((D,), jnp.float32), "norm2_w": jnp.ones((D,), jnp.float32),
        "q_w": rn(1, (H * DH, D)), "q_b": jnp.zeros((H * DH,), jnp.float32),
        "k_w": rn(2, (KVH * DH, D)), "k_b": jnp.zeros((KVH * DH,), jnp.float32),
        "v_w": rn(3, (KVH * DH, D)), "v_b": jnp.zeros((KVH * DH,), jnp.float32),
        "o_w": rn(4, (D, H * DH)), "o_b": jnp.zeros((D,), jnp.float32),
        "sinks": jnp.zeros((H,), jnp.float32),
        "gate_w": rn(5, (E, D)), "gate_b": jnp.zeros((E,), jnp.float32),
        "gp_w": rn(6, (E, D, F)), "gp_b": jnp.zeros((E, F), jnp.float32),
        "up_w": rn(7, (E, D, F)), "up_b": jnp.zeros((E, F), jnp.float32),
        "dp_w": rn(8, (E, F, D)), "dp_b": jnp.zeros((E, D), jnp.float32),
    }


def _rms(x, w):
    return x * jax.lax.rsqrt(jnp.mean(x * x, axis=-1, keepdims=True) + EPS) * w


def _rot_half(x):
    h = x.shape[-1] // 2
    return jnp.concatenate([-x[..., h:], x[..., :h]], axis=-1)


def reference(hidden_states, cos, sin, norm1_w, norm2_w, q_w, q_b, k_w, k_b, v_w, v_b, o_w, o_b, sinks, gate_w, gate_b, gp_w, gp_b, up_w, up_b, dp_w, dp_b):
    # ---- attention block ----
    res = hidden_states
    h = _rms(hidden_states, norm1_w)
    hf = h.reshape(-1, D)
    q = (hf @ q_w.T + q_b).reshape(B, S, H, DH)
    k = (hf @ k_w.T + k_b).reshape(B, S, KVH, DH)
    v = (hf @ v_w.T + v_b).reshape(B, S, KVH, DH)
    c = cos[:, :, None, :]
    s = sin[:, :, None, :]
    q = q * c + _rot_half(q) * s
    k = k * c + _rot_half(k) * s
    # attention sink: one extra zero KV token
    k = jnp.concatenate([k, jnp.zeros((B, 1, KVH, DH), jnp.float32)], axis=1)
    v = jnp.concatenate([v, jnp.zeros((B, 1, KVH, DH), jnp.float32)], axis=1)
    q = q.transpose(0, 2, 1, 3)
    k = jnp.repeat(k.transpose(0, 2, 1, 3), H // KVH, axis=1)
    v = jnp.repeat(v.transpose(0, 2, 1, 3), H // KVH, axis=1)
    scores = jnp.einsum('bhqd,bhkd->bhqk', q, k) * SCALE
    kv_idx = jnp.arange(S + 1)
    q_idx = jnp.arange(S)
    # score_mod: sink column score replaced by per-head learned bias
    scores = jnp.where(kv_idx[None, None, None, :] == S, sinks[None, :, None, None], scores)
    allowed = (kv_idx[None, :] <= q_idx[:, None]) | (kv_idx[None, :] == S)
    scores = jnp.where(allowed[None, None, :, :], scores, -1e30)
    probs = jax.nn.softmax(scores, axis=-1)
    attn = jnp.einsum('bhqk,bhkd->bhqd', probs, v)
    attn = attn.transpose(0, 2, 1, 3).reshape(B, S, H * DH)
    attn = attn @ o_w.T + o_b
    h = res + attn
    # ---- MoE block ----
    res = h
    hn = _rms(h, norm2_w)
    xf = hn.reshape(-1, D)
    logits = xf @ gate_w.T + gate_b
    tv, ti = jax.lax.top_k(logits, K)
    tw = jax.nn.softmax(tv.astype(jnp.float32), axis=-1)
    w_full = (jax.nn.one_hot(ti, E, dtype=jnp.float32) * tw[..., None]).sum(axis=1)  # [T,E]
    g = jnp.einsum('td,edf->etf', xf, gp_w) + gp_b[:, None, :]
    u = jnp.einsum('td,edf->etf', xf, up_w) + up_b[:, None, :]
    g = jnp.minimum(g, LIMIT)
    u = jnp.maximum(jnp.minimum(u, LIMIT), -LIMIT)
    glu = g * jax.nn.sigmoid(ALPHA * g)
    act = (u + 1.0) * glu
    dn = jnp.einsum('etf,efd->etd', act, dp_w) + dp_b[:, None, :]
    moe = jnp.einsum('te,etd->td', w_full, dn)
    out = res + moe.reshape(B, S, D)
    return out

if __name__ == "__main__":
    import jax
    _d = setup_inputs()
    print(jax.jit(kernel)(*tuple(_d.values())))

</pallas_src>

<mosaic_0001>
#map = affine_map<(d0, d1) -> (0, 0)>
#map1 = affine_map<(d0, d1) -> (0)>
module attributes {stable_mosaic.version = 14 : i64} {
  func.func @gather(%arg0: i32, %arg1: i32, %arg2: memref<2048x1024xf32, #tpu.memory_space<hbm>>, %arg3: memref<6144xi32, #tpu.memory_space<hbm>>, %arg4: memref<6144x1024xf32, #tpu.memory_space<hbm>>, %arg5: memref<96xi32, #tpu.memory_space<vmem>>, %arg6: memref<96x1024xf32, #tpu.memory_space<vmem>>, %arg7: memref<!tpu.dma_semaphore, #tpu.memory_space<semaphore_mem>>) attributes {dimension_semantics = [#tpu.dimension_semantics<core_parallel>, #tpu.dimension_semantics<subcore_parallel>], iteration_bounds = array<i64: 2, 16>, scalar_prefetch = 0 : i64, scratch_operands = 3 : i64, tpu.core_type = #tpu.core_type<sc_vector_subcore>, window_params = [{transform_indices = #map}, {transform_indices = #map1}, {transform_indices = #map}]} {
    %mul3A = arith.constant 2 : i32
    %mul3A_0 = arith.muli %arg1, %mul3A : i32
    %add3A = arith.addi %mul3A_0, %arg0 : i32
    %mul3A_1 = arith.constant 192 : i32
    %mul3A_2 = arith.muli %add3A, %mul3A_1 : i32
    %add3A_3 = arith.constant 0 : i32
    %add3A_4 = arith.addi %mul3A_2, %add3A_3 : i32
    "tpu.region"() ({
      %run_scoped3A = tpu.sem_alloc : memref<!tpu.dma_semaphore, #tpu.memory_space<semaphore_mem>>
      %dma_start3A_19 = tpu.memref_slice %arg3[%add3A_4] : memref<6144xi32, #tpu.memory_space<hbm>> -> memref<96xi32, #tpu.memory_space<hbm>>
      %dma_start3A_20 = tpu.memref_slice %arg3[%add3A_4] : memref<6144xi32, #tpu.memory_space<hbm>> -> memref<96xi32, #tpu.memory_space<hbm>>
      tpu.enqueue_dma source(%dma_start3A_20 : memref<96xi32, #tpu.memory_space<hbm>>) target(%arg5 : memref<96xi32, #tpu.memory_space<vmem>>) target_semaphore(%run_scoped3A : memref<!tpu.dma_semaphore, #tpu.memory_space<semaphore_mem>>)
      %dma_wait3A_21 = tpu.memref_slice %arg3[%add3A_4] : memref<6144xi32, #tpu.memory_space<hbm>> -> memref<96xi32, #tpu.memory_space<hbm>>
      %dma_wait3A_22 = tpu.memref_slice %arg3[%add3A_4] : memref<6144xi32, #tpu.memory_space<hbm>> -> memref<96xi32, #tpu.memory_space<hbm>>
      tpu.wait_dma2 semaphore(%run_scoped3A : memref<!tpu.dma_semaphore, #tpu.memory_space<semaphore_mem>>) src(%dma_wait3A_22 : memref<96xi32, #tpu.memory_space<hbm>>) dst(%arg5 : memref<96xi32, #tpu.memory_space<vmem>>)
      tpu.yield
    }) : () -> ()
    %dma_start3A = arith.constant 0 : i32
    %dma_start3A_5 = arith.constant 0 : i32
    %dma_start3A_6 = tpu.memref_slice %arg2[%dma_start3A, %dma_start3A_5] : memref<2048x1024xf32, #tpu.memory_space<hbm>> -> memref<2048x1024xf32, #tpu.memory_space<hbm>>
    tpu.enqueue_indirect_dma source(%dma_start3A_6 : memref<2048x1024xf32, #tpu.memory_space<hbm>>) target(%arg6 : memref<96x1024xf32, #tpu.memory_space<vmem>>) offsets(%arg5 : memref<96xi32, #tpu.memory_space<vmem>>) semaphore(%arg7 : memref<!tpu.dma_semaphore, #tpu.memory_space<semaphore_mem>>)
    %dma_wait3A = arith.constant 0 : i32
    %dma_wait3A_7 = arith.constant 0 : i32
    %dma_wait3A_8 = tpu.memref_slice %arg2[%dma_wait3A, %dma_wait3A_7] : memref<2048x1024xf32, #tpu.memory_space<hbm>> -> memref<2048x1024xf32, #tpu.memory_space<hbm>>
    tpu.wait_indirect_dma semaphore(%arg7 : memref<!tpu.dma_semaphore, #tpu.memory_space<semaphore_mem>>) src(%dma_wait3A_8 : memref<2048x1024xf32, #tpu.memory_space<hbm>>) dst(%arg6 : memref<96x1024xf32, #tpu.memory_space<vmem>>)
    "tpu.region"() ({
      %run_scoped3A = tpu.sem_alloc : memref<!tpu.dma_semaphore, #tpu.memory_space<semaphore_mem>>
      %dma_start3A_19 = arith.constant 0 : i32
      %dma_start3A_20 = tpu.memref_slice %arg4[%add3A_4, %dma_start3A_19] : memref<6144x1024xf32, #tpu.memory_space<hbm>> -> memref<96x1024xf32, #tpu.memory_space<hbm>>
      %dma_start3A_21 = arith.constant 0 : i32
      %dma_start3A_22 = tpu.memref_slice %arg4[%add3A_4, %dma_start3A_21] : memref<6144x1024xf32, #tpu.memory_space<hbm>> -> memref<96x1024xf32, #tpu.memory_space<hbm>>
      tpu.enqueue_dma source(%arg6 : memref<96x1024xf32, #tpu.memory_space<vmem>>) target(%dma_start3A_22 : memref<96x1024xf32, #tpu.memory_space<hbm>>) target_semaphore(%run_scoped3A : memref<!tpu.dma_semaphore, #tpu.memory_space<semaphore_mem>>)
      %dma_wait3A_23 = arith.constant 0 : i32
      %dma_wait3A_24 = tpu.memref_slice %arg4[%add3A_4, %dma_wait3A_23] : memref<6144x1024xf32, #tpu.memory_space<hbm>> -> memref<96x1024xf32, #tpu.memory_space<hbm>>
      %dma_wait3A_25 = arith.constant 0 : i32
      %dma_wait3A_26 = tpu.memref_slice %arg4[%add3A_4, %dma_wait3A_25] : memref<6144x1024xf32, #tpu.memory_space<hbm>> -> memref<96x1024xf32, #tpu.memory_space<hbm>>
      tpu.wait_dma2 semaphore(%run_scoped3A : memref<!tpu.dma_semaphore, #tpu.memory_space<semaphore_mem>>) src(%arg6 : memref<96x1024xf32, #tpu.memory_space<vmem>>) dst(%dma_wait3A_26 : memref<96x1024xf32, #tpu.memory_space<hbm>>)
      tpu.yield
    }) : () -> ()
    %mul3A_9 = arith.constant 192 : i32
    %mul3A_10 = arith.muli %add3A, %mul3A_9 : i32
    %add3A_11 = arith.constant 96 : i32
    %add3A_12 = arith.addi %mul3A_10, %add3A_11 : i32
    "tpu.region"() ({
      %run_scoped3A = tpu.sem_alloc : memref<!tpu.dma_semaphore, #tpu.memory_space<semaphore_mem>>
      %dma_start3A_19 = tpu.memref_slice %arg3[%add3A_12] : memref<6144xi32, #tpu.memory_space<hbm>> -> memref<96xi32, #tpu.memory_space<hbm>>
      %dma_start3A_20 = tpu.memref_slice %arg3[%add3A_12] : memref<6144xi32, #tpu.memory_space<hbm>> -> memref<96xi32, #tpu.memory_space<hbm>>
      tpu.enqueue_dma source(%dma_start3A_20 : memref<96xi32, #tpu.memory_space<hbm>>) target(%arg5 : memref<96xi32, #tpu.memory_space<vmem>>) target_semaphore(%run_scoped3A : memref<!tpu.dma_semaphore, #tpu.memory_space<semaphore_mem>>)
      %dma_wait3A_21 = tpu.memref_slice %arg3[%add3A_12] : memref<6144xi32, #tpu.memory_space<hbm>> -> memref<96xi32, #tpu.memory_space<hbm>>
      %dma_wait3A_22 = tpu.memref_slice %arg3[%add3A_12] : memref<6144xi32, #tpu.memory_space<hbm>> -> memref<96xi32, #tpu.memory_space<hbm>>
      tpu.wait_dma2 semaphore(%run_scoped3A : memref<!tpu.dma_semaphore, #tpu.memory_space<semaphore_mem>>) src(%dma_wait3A_22 : memref<96xi32, #tpu.memory_space<hbm>>) dst(%arg5 : memref<96xi32, #tpu.memory_space<vmem>>)
      tpu.yield
    }) : () -> ()
    %dma_start3A_13 = arith.constant 0 : i32
    %dma_start3A_14 = arith.constant 0 : i32
    %dma_start3A_15 = tpu.memref_slice %arg2[%dma_start3A_13, %dma_start3A_14] : memref<2048x1024xf32, #tpu.memory_space<hbm>> -> memref<2048x1024xf32, #tpu.memory_space<hbm>>
    tpu.enqueue_indirect_dma source(%dma_start3A_15 : memref<2048x1024xf32, #tpu.memory_space<hbm>>) target(%arg6 : memref<96x1024xf32, #tpu.memory_space<vmem>>) offsets(%arg5 : memref<96xi32, #tpu.memory_space<vmem>>) semaphore(%arg7 : memref<!tpu.dma_semaphore, #tpu.memory_space<semaphore_mem>>)
    %dma_wait3A_16 = arith.constant 0 : i32
    %dma_wait3A_17 = arith.constant 0 : i32
    %dma_wait3A_18 = tpu.memref_slice %arg2[%dma_wait3A_16, %dma_wait3A_17] : memref<2048x1024xf32, #tpu.memory_space<hbm>> -> memref<2048x1024xf32, #tpu.memory_space<hbm>>
    tpu.wait_indirect_dma semaphore(%arg7 : memref<!tpu.dma_semaphore, #tpu.memory_space<semaphore_mem>>) src(%dma_wait3A_18 : memref<2048x1024xf32, #tpu.memory_space<hbm>>) dst(%arg6 : memref<96x1024xf32, #tpu.memory_space<vmem>>)
    "tpu.region"() ({
      %run_scoped3A = tpu.sem_alloc : memref<!tpu.dma_semaphore, #tpu.memory_space<semaphore_mem>>
      %dma_start3A_19 = arith.constant 0 : i32
      %dma_start3A_20 = tpu.memref_slice %arg4[%add3A_12, %dma_start3A_19] : memref<6144x1024xf32, #tpu.memory_space<hbm>> -> memref<96x1024xf32, #tpu.memory_space<hbm>>
      %dma_start3A_21 = arith.constant 0 : i32
      %dma_start3A_22 = tpu.memref_slice %arg4[%add3A_12, %dma_start3A_21] : memref<6144x1024xf32, #tpu.memory_space<hbm>> -> memref<96x1024xf32, #tpu.memory_space<hbm>>
      tpu.enqueue_dma source(%arg6 : memref<96x1024xf32, #tpu.memory_space<vmem>>) target(%dma_start3A_22 : memref<96x1024xf32, #tpu.memory_space<hbm>>) target_semaphore(%run_scoped3A : memref<!tpu.dma_semaphore, #tpu.memory_space<semaphore_mem>>)
      %dma_wait3A_23 = arith.constant 0 : i32
      %dma_wait3A_24 = tpu.memref_slice %arg4[%add3A_12, %dma_wait3A_23] : memref<6144x1024xf32, #tpu.memory_space<hbm>> -> memref<96x1024xf32, #tpu.memory_space<hbm>>
      %dma_wait3A_25 = arith.constant 0 : i32
      %dma_wait3A_26 = tpu.memref_slice %arg4[%add3A_12, %dma_wait3A_25] : memref<6144x1024xf32, #tpu.memory_space<hbm>> -> memref<96x1024xf32, #tpu.memory_space<hbm>>
      tpu.wait_dma2 semaphore(%run_scoped3A : memref<!tpu.dma_semaphore, #tpu.memory_space<semaphore_mem>>) src(%arg6 : memref<96x1024xf32, #tpu.memory_space<vmem>>) dst(%dma_wait3A_26 : memref<96x1024xf32, #tpu.memory_space<hbm>>)
      tpu.yield
    }) : () -> ()
    return
  }
}

#map = affine_map<(d0, d1) -> (0, 0)>
#map1 = affine_map<(d0, d1) -> (0)>
module attributes {stable_mosaic.version = 14 : i64} {
  func.func @gather(%arg0: i32, %arg1: i32, %arg2: memref<6144x1024xf32, #tpu.memory_space<hbm>>, %arg3: memref<4096xi32, #tpu.memory_space<hbm>>, %arg4: memref<4096x1024xf32, #tpu.memory_space<hbm>>, %arg5: memref<64xi32, #tpu.memory_space<vmem>>, %arg6: memref<64x1024xf32, #tpu.memory_space<vmem>>, %arg7: memref<!tpu.dma_semaphore, #tpu.memory_space<semaphore_mem>>) attributes {dimension_semantics = [#tpu.dimension_semantics<core_parallel>, #tpu.dimension_semantics<subcore_parallel>], iteration_bounds = array<i64: 2, 16>, scalar_prefetch = 0 : i64, scratch_operands = 3 : i64, tpu.core_type = #tpu.core_type<sc_vector_subcore>, window_params = [{transform_indices = #map}, {transform_indices = #map1}, {transform_indices = #map}]} {
    %mul3A = arith.constant 2 : i32
    %mul3A_0 = arith.muli %arg1, %mul3A : i32
    %add3A = arith.addi %mul3A_0, %arg0 : i32
    %mul3A_1 = arith.constant 128 : i32
    %mul3A_2 = arith.muli %add3A, %mul3A_1 : i32
    %add3A_3 = arith.constant 0 : i32
    %add3A_4 = arith.addi %mul3A_2, %add3A_3 : i32
    "tpu.region"() ({
      %run_scoped3A = tpu.sem_alloc : memref<!tpu.dma_semaphore, #tpu.memory_space<semaphore_mem>>
      %dma_start3A_19 = tpu.memref_slice %arg3[%add3A_4] : memref<4096xi32, #tpu.memory_space<hbm>> -> memref<64xi32, #tpu.memory_space<hbm>>
      %dma_start3A_20 = tpu.memref_slice %arg3[%add3A_4] : memref<4096xi32, #tpu.memory_space<hbm>> -> memref<64xi32, #tpu.memory_space<hbm>>
      tpu.enqueue_dma source(%dma_start3A_20 : memref<64xi32, #tpu.memory_space<hbm>>) target(%arg5 : memref<64xi32, #tpu.memory_space<vmem>>) target_semaphore(%run_scoped3A : memref<!tpu.dma_semaphore, #tpu.memory_space<semaphore_mem>>)
      %dma_wait3A_21 = tpu.memref_slice %arg3[%add3A_4] : memref<4096xi32, #tpu.memory_space<hbm>> -> memref<64xi32, #tpu.memory_space<hbm>>
      %dma_wait3A_22 = tpu.memref_slice %arg3[%add3A_4] : memref<4096xi32, #tpu.memory_space<hbm>> -> memref<64xi32, #tpu.memory_space<hbm>>
      tpu.wait_dma2 semaphore(%run_scoped3A : memref<!tpu.dma_semaphore, #tpu.memory_space<semaphore_mem>>) src(%dma_wait3A_22 : memref<64xi32, #tpu.memory_space<hbm>>) dst(%arg5 : memref<64xi32, #tpu.memory_space<vmem>>)
      tpu.yield
    }) : () -> ()
    %dma_start3A = arith.constant 0 : i32
    %dma_start3A_5 = arith.constant 0 : i32
    %dma_start3A_6 = tpu.memref_slice %arg2[%dma_start3A, %dma_start3A_5] : memref<6144x1024xf32, #tpu.memory_space<hbm>> -> memref<6144x1024xf32, #tpu.memory_space<hbm>>
    tpu.enqueue_indirect_dma source(%dma_start3A_6 : memref<6144x1024xf32, #tpu.memory_space<hbm>>) target(%arg6 : memref<64x1024xf32, #tpu.memory_space<vmem>>) offsets(%arg5 : memref<64xi32, #tpu.memory_space<vmem>>) semaphore(%arg7 : memref<!tpu.dma_semaphore, #tpu.memory_space<semaphore_mem>>)
    %dma_wait3A = arith.constant 0 : i32
    %dma_wait3A_7 = arith.constant 0 : i32
    %dma_wait3A_8 = tpu.memref_slice %arg2[%dma_wait3A, %dma_wait3A_7] : memref<6144x1024xf32, #tpu.memory_space<hbm>> -> memref<6144x1024xf32, #tpu.memory_space<hbm>>
    tpu.wait_indirect_dma semaphore(%arg7 : memref<!tpu.dma_semaphore, #tpu.memory_space<semaphore_mem>>) src(%dma_wait3A_8 : memref<6144x1024xf32, #tpu.memory_space<hbm>>) dst(%arg6 : memref<64x1024xf32, #tpu.memory_space<vmem>>)
    "tpu.region"() ({
      %run_scoped3A = tpu.sem_alloc : memref<!tpu.dma_semaphore, #tpu.memory_space<semaphore_mem>>
      %dma_start3A_19 = arith.constant 0 : i32
      %dma_start3A_20 = tpu.memref_slice %arg4[%add3A_4, %dma_start3A_19] : memref<4096x1024xf32, #tpu.memory_space<hbm>> -> memref<64x1024xf32, #tpu.memory_space<hbm>>
      %dma_start3A_21 = arith.constant 0 : i32
      %dma_start3A_22 = tpu.memref_slice %arg4[%add3A_4, %dma_start3A_21] : memref<4096x1024xf32, #tpu.memory_space<hbm>> -> memref<64x1024xf32, #tpu.memory_space<hbm>>
      tpu.enqueue_dma source(%arg6 : memref<64x1024xf32, #tpu.memory_space<vmem>>) target(%dma_start3A_22 : memref<64x1024xf32, #tpu.memory_space<hbm>>) target_semaphore(%run_scoped3A : memref<!tpu.dma_semaphore, #tpu.memory_space<semaphore_mem>>)
      %dma_wait3A_23 = arith.constant 0 : i32
      %dma_wait3A_24 = tpu.memref_slice %arg4[%add3A_4, %dma_wait3A_23] : memref<4096x1024xf32, #tpu.memory_space<hbm>> -> memref<64x1024xf32, #tpu.memory_space<hbm>>
      %dma_wait3A_25 = arith.constant 0 : i32
      %dma_wait3A_26 = tpu.memref_slice %arg4[%add3A_4, %dma_wait3A_25] : memref<4096x1024xf32, #tpu.memory_space<hbm>> -> memref<64x1024xf32, #tpu.memory_space<hbm>>
      tpu.wait_dma2 semaphore(%run_scoped3A : memref<!tpu.dma_semaphore, #tpu.memory_space<semaphore_mem>>) src(%arg6 : memref<64x1024xf32, #tpu.memory_space<vmem>>) dst(%dma_wait3A_26 : memref<64x1024xf32, #tpu.memory_space<hbm>>)
      tpu.yield
    }) : () -> ()
    %mul3A_9 = arith.constant 128 : i32
    %mul3A_10 = arith.muli %add3A, %mul3A_9 : i32
    %add3A_11 = arith.constant 64 : i32
    %add3A_12 = arith.addi %mul3A_10, %add3A_11 : i32
    "tpu.region"() ({
      %run_scoped3A = tpu.sem_alloc : memref<!tpu.dma_semaphore, #tpu.memory_space<semaphore_mem>>
      %dma_start3A_19 = tpu.memref_slice %arg3[%add3A_12] : memref<4096xi32, #tpu.memory_space<hbm>> -> memref<64xi32, #tpu.memory_space<hbm>>
      %dma_start3A_20 = tpu.memref_slice %arg3[%add3A_12] : memref<4096xi32, #tpu.memory_space<hbm>> -> memref<64xi32, #tpu.memory_space<hbm>>
      tpu.enqueue_dma source(%dma_start3A_20 : memref<64xi32, #tpu.memory_space<hbm>>) target(%arg5 : memref<64xi32, #tpu.memory_space<vmem>>) target_semaphore(%run_scoped3A : memref<!tpu.dma_semaphore, #tpu.memory_space<semaphore_mem>>)
      %dma_wait3A_21 = tpu.memref_slice %arg3[%add3A_12] : memref<4096xi32, #tpu.memory_space<hbm>> -> memref<64xi32, #tpu.memory_space<hbm>>
      %dma_wait3A_22 = tpu.memref_slice %arg3[%add3A_12] : memref<4096xi32, #tpu.memory_space<hbm>> -> memref<64xi32, #tpu.memory_space<hbm>>
      tpu.wait_dma2 semaphore(%run_scoped3A : memref<!tpu.dma_semaphore, #tpu.memory_space<semaphore_mem>>) src(%dma_wait3A_22 : memref<64xi32, #tpu.memory_space<hbm>>) dst(%arg5 : memref<64xi32, #tpu.memory_space<vmem>>)
      tpu.yield
    }) : () -> ()
    %dma_start3A_13 = arith.constant 0 : i32
    %dma_start3A_14 = arith.constant 0 : i32
    %dma_start3A_15 = tpu.memref_slice %arg2[%dma_start3A_13, %dma_start3A_14] : memref<6144x1024xf32, #tpu.memory_space<hbm>> -> memref<6144x1024xf32, #tpu.memory_space<hbm>>
    tpu.enqueue_indirect_dma source(%dma_start3A_15 : memref<6144x1024xf32, #tpu.memory_space<hbm>>) target(%arg6 : memref<64x1024xf32, #tpu.memory_space<vmem>>) offsets(%arg5 : memref<64xi32, #tpu.memory_space<vmem>>) semaphore(%arg7 : memref<!tpu.dma_semaphore, #tpu.memory_space<semaphore_mem>>)
    %dma_wait3A_16 = arith.constant 0 : i32
    %dma_wait3A_17 = arith.constant 0 : i32
    %dma_wait3A_18 = tpu.memref_slice %arg2[%dma_wait3A_16, %dma_wait3A_17] : memref<6144x1024xf32, #tpu.memory_space<hbm>> -> memref<6144x1024xf32, #tpu.memory_space<hbm>>
    tpu.wait_indirect_dma semaphore(%arg7 : memref<!tpu.dma_semaphore, #tpu.memory_space<semaphore_mem>>) src(%dma_wait3A_18 : memref<6144x1024xf32, #tpu.memory_space<hbm>>) dst(%arg6 : memref<64x1024xf32, #tpu.memory_space<vmem>>)
    "tpu.region"() ({
      %run_scoped3A = tpu.sem_alloc : memref<!tpu.dma_semaphore, #tpu.memory_space<semaphore_mem>>
      %dma_start3A_19 = arith.constant 0 : i32
      %dma_start3A_20 = tpu.memref_slice %arg4[%add3A_12, %dma_start3A_19] : memref<4096x1024xf32, #tpu.memory_space<hbm>> -> memref<64x1024xf32, #tpu.memory_space<hbm>>
      %dma_start3A_21 = arith.constant 0 : i32
      %dma_start3A_22 = tpu.memref_slice %arg4[%add3A_12, %dma_start3A_21] : memref<4096x1024xf32, #tpu.memory_space<hbm>> -> memref<64x1024xf32, #tpu.memory_space<hbm>>
      tpu.enqueue_dma source(%arg6 : memref<64x1024xf32, #tpu.memory_space<vmem>>) target(%dma_start3A_22 : memref<64x1024xf32, #tpu.memory_space<hbm>>) target_semaphore(%run_scoped3A : memref<!tpu.dma_semaphore, #tpu.memory_space<semaphore_mem>>)
      %dma_wait3A_23 = arith.constant 0 : i32
      %dma_wait3A_24 = tpu.memref_slice %arg4[%add3A_12, %dma_wait3A_23] : memref<4096x1024xf32, #tpu.memory_space<hbm>> -> memref<64x1024xf32, #tpu.memory_space<hbm>>
      %dma_wait3A_25 = arith.constant 0 : i32
      %dma_wait3A_26 = tpu.memref_slice %arg4[%add3A_12, %dma_wait3A_25] : memref<4096x1024xf32, #tpu.memory_space<hbm>> -> memref<64x1024xf32, #tpu.memory_space<hbm>>
      tpu.wait_dma2 semaphore(%run_scoped3A : memref<!tpu.dma_semaphore, #tpu.memory_space<semaphore_mem>>) src(%arg6 : memref<64x1024xf32, #tpu.memory_space<vmem>>) dst(%dma_wait3A_26 : memref<64x1024xf32, #tpu.memory_space<hbm>>)
      tpu.yield
    }) : () -> ()
    return
  }
}

module attributes {stable_mosaic.version = 14 : i64} {
  func.func @_qkv_body(%arg0: i32, %arg1: memref<256x1024xf32, #tpu.memory_space<vmem>>, %arg2: memref<1x1024xf32, #tpu.memory_space<vmem>>, %arg3: memref<1024x2816xf32, #tpu.memory_space<vmem>>, %arg4: memref<256x1024xf32, #tpu.memory_space<vmem>>, %arg5: memref<256x1024xf32, #tpu.memory_space<vmem>>, %arg6: memref<256x256xf32, #tpu.memory_space<vmem>>, %arg7: memref<256x256xf32, #tpu.memory_space<vmem>>, %arg8: memref<256x1024xf32, #tpu.memory_space<vmem>>, %arg9: memref<256x256xf32, #tpu.memory_space<vmem>>, %arg10: memref<1x256xf32, #tpu.memory_space<vmem>>, %arg11: memref<16x256x64xf32, #tpu.memory_space<vmem>>, %arg12: memref<4x256x64xf32, #tpu.memory_space<vmem>>, %arg13: memref<4x256x64xf32, #tpu.memory_space<vmem>>) attributes {dimension_semantics = [#tpu.dimension_semantics<arbitrary>], iteration_bounds = array<i64: 8>, scalar_prefetch = 0 : i64, scratch_operands = 0 : i64, tpu.core_type = #tpu.core_type<tc>, window_params = [{transform_indices = @transform_0, window_bounds = array<i64: 256, 1024>}, {pipeline_mode = #tpu.pipeline_mode<synchronous>, transform_indices = @transform_1, window_bounds = array<i64: 1, 1024>}, {pipeline_mode = #tpu.pipeline_mode<synchronous>, transform_indices = @transform_2, window_bounds = array<i64: 1024, 2816>}, {transform_indices = @transform_3, window_bounds = array<i64: 256, 1024>}, {transform_indices = @transform_4, window_bounds = array<i64: 256, 1024>}, {transform_indices = @transform_5, window_bounds = array<i64: 256, 256>}, {transform_indices = @transform_6, window_bounds = array<i64: 256, 256>}, {transform_indices = @transform_7, window_bounds = array<i64: 256, 1024>}, {transform_indices = @transform_8, window_bounds = array<i64: 256, 256>}, {pipeline_mode = #tpu.pipeline_mode<synchronous>, transform_indices = @transform_9, window_bounds = array<i64: 1, 256>}, {transform_indices = @transform_10, window_bounds = array<i64: 16, 256, 64>}, {transform_indices = @transform_11, window_bounds = array<i64: 4, 256, 64>}, {transform_indices = @transform_12, window_bounds = array<i64: 4, 256, 64>}]} {
    %get3A = arith.constant 0 : index
    %get3A_0 = arith.constant 0 : index
    %get3A_1 = vector.load %arg1[%get3A, %get3A_0] : memref<256x1024xf32, #tpu.memory_space<vmem>>, vector<256x1024xf32>
    %mul3A = arith.mulf %get3A_1, %get3A_1 : vector<256x1024xf32>
    %reduce_sum3A = arith.constant dense<0.000000e+00> : vector<256xf32>
    %reduce_sum3A_2 = vector.multi_reduction <add>, %mul3A, %reduce_sum3A [1] : vector<256x1024xf32> to vector<256xf32>
    %broadcast_in_dim3A = vector.shape_cast %reduce_sum3A_2 : vector<256xf32> to vector<256x1xf32>
    %div3A = arith.constant 1.024000e+03 : f32
    %div3A_3 = vector.broadcast %div3A : f32 to vector<256x1xf32>
    %div3A_4 = arith.divf %broadcast_in_dim3A, %div3A_3 : vector<256x1xf32>
    %add3A = arith.constant 9.99999974E-6 : f32
    %add3A_5 = vector.broadcast %add3A : f32 to vector<256x1xf32>
    %add3A_6 = arith.addf %div3A_4, %add3A_5 : vector<256x1xf32>
    %rsqrt3A = math.rsqrt %add3A_6 : vector<256x1xf32>
    %mul3A_7 = vector.broadcast %rsqrt3A : vector<256x1xf32> to vector<256x1024xf32>
    %mul3A_8 = arith.mulf %get3A_1, %mul3A_7 : vector<256x1024xf32>
    %get3A_9 = arith.constant 0 : index
    %get3A_10 = arith.constant 0 : index
    %get3A_11 = vector.load %arg2[%get3A_9, %get3A_10] : memref<1x1024xf32, #tpu.memory_space<vmem>>, vector<1x1024xf32>
    %mul3A_12 = vector.broadcast %get3A_11 : vector<1x1024xf32> to vector<256x1024xf32>
    %mul3A_13 = arith.mulf %mul3A_8, %mul3A_12 : vector<256x1024xf32>
    %get3A_14 = arith.constant 0 : index
    %get3A_15 = arith.constant 0 : index
    %get3A_16 = vector.load %arg3[%get3A_14, %get3A_15] : memref<1024x2816xf32, #tpu.memory_space<vmem>>, vector<1024x2816xf32>
    %dot_general3A = arith.constant dense<0.000000e+00> : vector<256x2816xf32>
    %dot_general3A_17 = tpu.matmul %mul3A_13, %get3A_16, %dot_general3A {dimension_numbers = #tpu.dot_dimension_numbers<[1], [0], [0], [1], [0, 0, 1, 1], [], []>, transpose_lhs_hint = false} : vector<256x1024xf32>, vector<1024x2816xf32>, vector<256x2816xf32> -> vector<256x2816xf32>
    %slice3A = vector.extract_strided_slice %dot_general3A_17 {offsets = [0, 0], sizes = [256, 1024], strides = [1, 1]} : vector<256x2816xf32> to vector<256x1024xf32>
    %slice3A_18 = vector.extract_strided_slice %dot_general3A_17 {offsets = [0, 1024], sizes = [256, 1024], strides = [1, 1]} : vector<256x2816xf32> to vector<256x1024xf32>
    %slice3A_19 = vector.extract_strided_slice %dot_general3A_17 {offsets = [0, 2048], sizes = [256, 256], strides = [1, 1]} : vector<256x2816xf32> to vector<256x256xf32>
    %slice3A_20 = vector.extract_strided_slice %dot_general3A_17 {offsets = [0, 2304], sizes = [256, 256], strides = [1, 1]} : vector<256x2816xf32> to vector<256x256xf32>
    %slice3A_21 = vector.extract_strided_slice %dot_general3A_17 {offsets = [0, 2560], sizes = [256, 256], strides = [1, 1]} : vector<256x2816xf32> to vector<256x256xf32>
    %get3A_22 = arith.constant 0 : index
    %get3A_23 = arith.constant 0 : index
    %get3A_24 = vector.load %arg4[%get3A_22, %get3A_23] : memref<256x1024xf32, #tpu.memory_space<vmem>>, vector<256x1024xf32>
    %mul3A_25 = arith.mulf %slice3A, %get3A_24 : vector<256x1024xf32>
    %get3A_26 = arith.constant 0 : index
    %get3A_27 = arith.constant 0 : index
    %get3A_28 = vector.load %arg5[%get3A_26, %get3A_27] : memref<256x1024xf32, #tpu.memory_space<vmem>>, vector<256x1024xf32>
    %mul3A_29 = arith.mulf %slice3A_18, %get3A_28 : vector<256x1024xf32>
    %add3A_30 = arith.addf %mul3A_25, %mul3A_29 : vector<256x1024xf32>
    %get3A_31 = arith.constant 0 : index
    %get3A_32 = arith.constant 0 : index
    %get3A_33 = vector.load %arg8[%get3A_31, %get3A_32] : memref<256x1024xf32, #tpu.memory_space<vmem>>, vector<256x1024xf32>
    %add3A_34 = arith.addf %add3A_30, %get3A_33 : vector<256x1024xf32>
    %get3A_35 = arith.constant 0 : index
    %get3A_36 = arith.constant 0 : index
    %get3A_37 = vector.load %arg6[%get3A_35, %get3A_36] : memref<256x256xf32, #tpu.memory_space<vmem>>, vector<256x256xf32>
    %mul3A_38 = arith.mulf %slice3A_19, %get3A_37 : vector<256x256xf32>
    %get3A_39 = arith.constant 0 : index
    %get3A_40 = arith.constant 0 : index
    %get3A_41 = vector.load %arg7[%get3A_39, %get3A_40] : memref<256x256xf32, #tpu.memory_space<vmem>>, vector<256x256xf32>
    %mul3A_42 = arith.mulf %slice3A_20, %get3A_41 : vector<256x256xf32>
    %add3A_43 = arith.addf %mul3A_38, %mul3A_42 : vector<256x256xf32>
    %get3A_44 = arith.constant 0 : index
    %get3A_45 = arith.constant 0 : index
    %get3A_46 = vector.load %arg9[%get3A_44, %get3A_45] : memref<256x256xf32, #tpu.memory_space<vmem>>, vector<256x256xf32>
    %add3A_47 = arith.addf %add3A_43, %get3A_46 : vector<256x256xf32>
    %get3A_48 = arith.constant 0 : index
    %get3A_49 = arith.constant 0 : index
    %get3A_50 = vector.load %arg10[%get3A_48, %get3A_49] : memref<1x256xf32, #tpu.memory_space<vmem>>, vector<1x256xf32>
    %add3A_51 = vector.broadcast %get3A_50 : vector<1x256xf32> to vector<256x256xf32>
    %add3A_52 = arith.addf %slice3A_21, %add3A_51 : vector<256x256xf32>
    %mul3A_53 = arith.constant 1.250000e-01 : f32
    %mul3A_54 = vector.broadcast %mul3A_53 : f32 to vector<256x1024xf32>
    %mul3A_55 = arith.mulf %add3A_34, %mul3A_54 : vector<256x1024xf32>
    %reshape3A = vector.shape_cast %mul3A_55 : vector<256x1024xf32> to vector<256x16x64xf32>
    %transpose3A = tpu.transpose %reshape3A, [1, 0, 2] : vector<256x16x64xf32> -> vector<16x256x64xf32>
    %swap3A = arith.constant 0 : index
    %swap3A_56 = arith.constant 0 : index
    %swap3A_57 = arith.constant 0 : index
    %swap3A_58 = vector.load %arg11[%swap3A, %swap3A_56, %swap3A_57] : memref<16x256x64xf32, #tpu.memory_space<vmem>>, vector<16x256x64xf32>
    tpu.vector_store %arg11[%swap3A, %swap3A_56, %swap3A_57], %transpose3A {strides = array<i32>} : memref<16x256x64xf32, #tpu.memory_space<vmem>>, vector<16x256x64xf32>,
    %reshape3A_59 = vector.shape_cast %add3A_47 : vector<256x256xf32> to vector<256x4x64xf32>
    %transpose3A_60 = tpu.transpose %reshape3A_59, [1, 0, 2] : vector<256x4x64xf32> -> vector<4x256x64xf32>
    %swap3A_61 = arith.constant 0 : index
    %swap3A_62 = arith.constant 0 : index
    %swap3A_63 = arith.constant 0 : index
    %swap3A_64 = vector.load %arg12[%swap3A_61, %swap3A_62, %swap3A_63] : memref<4x256x64xf32, #tpu.memory_space<vmem>>, vector<4x256x64xf32>
    tpu.vector_store %arg12[%swap3A_61, %swap3A_62, %swap3A_63], %transpose3A_60 {strides = array<i32>} : memref<4x256x64xf32, #tpu.memory_space<vmem>>, vector<4x256x64xf32>,
    %reshape3A_65 = vector.shape_cast %add3A_52 : vector<256x256xf32> to vector<256x4x64xf32>
    %transpose3A_66 = tpu.transpose %reshape3A_65, [1, 0, 2] : vector<256x4x64xf32> -> vector<4x256x64xf32>
    %swap3A_67 = arith.constant 0 : index
    %swap3A_68 = arith.constant 0 : index
    %swap3A_69 = arith.constant 0 : index
    %swap3A_70 = vector.load %arg13[%swap3A_67, %swap3A_68, %swap3A_69] : memref<4x256x64xf32, #tpu.memory_space<vmem>>, vector<4x256x64xf32>
    tpu.vector_store %arg13[%swap3A_67, %swap3A_68, %swap3A_69], %transpose3A_66 {strides = array<i32>} : memref<4x256x64xf32, #tpu.memory_space<vmem>>, vector<4x256x64xf32>,
    return
  }
  func.func @transform_0(%arg0: i32) -> (i32, i32) {
    %c0_i32 = arith.constant 0 : i32
    %c0_i32_0 = arith.constant 0 : i32
    return %arg0, %c0_i32 : i32, i32
  }
  func.func @transform_1(%arg0: i32) -> (i32, i32) {
    %c0_i32 = arith.constant 0 : i32
    %c0_i32_0 = arith.constant 0 : i32
    %c0_i32_1 = arith.constant 0 : i32
    return %c0_i32, %c0_i32_0 : i32, i32
  }
  func.func @transform_2(%arg0: i32) -> (i32, i32) {
    %c0_i32 = arith.constant 0 : i32
    %c0_i32_0 = arith.constant 0 : i32
    %c0_i32_1 = arith.constant 0 : i32
    return %c0_i32, %c0_i32_0 : i32, i32
  }
  func.func @transform_3(%arg0: i32) -> (i32, i32) {
    %c0_i32 = arith.constant 0 : i32
    %c0_i32_0 = arith.constant 0 : i32
    return %arg0, %c0_i32 : i32, i32
  }
  func.func @transform_4(%arg0: i32) -> (i32, i32) {
    %c0_i32 = arith.constant 0 : i32
    %c0_i32_0 = arith.constant 0 : i32
    return %arg0, %c0_i32 : i32, i32
  }
  func.func @transform_5(%arg0: i32) -> (i32, i32) {
    %c0_i32 = arith.constant 0 : i32
    %c0_i32_0 = arith.constant 0 : i32
    return %arg0, %c0_i32 : i32, i32
  }
  func.func @transform_6(%arg0: i32) -> (i32, i32) {
    %c0_i32 = arith.constant 0 : i32
    %c0_i32_0 = arith.constant 0 : i32
    return %arg0, %c0_i32 : i32, i32
  }
  func.func @transform_7(%arg0: i32) -> (i32, i32) {
    %c0_i32 = arith.constant 0 : i32
    %c0_i32_0 = arith.constant 0 : i32
    return %arg0, %c0_i32 : i32, i32
  }
  func.func @transform_8(%arg0: i32) -> (i32, i32) {
    %c0_i32 = arith.constant 0 : i32
    %c0_i32_0 = arith.constant 0 : i32
    return %arg0, %c0_i32 : i32, i32
  }
  func.func @transform_9(%arg0: i32) -> (i32, i32) {
    %c0_i32 = arith.constant 0 : i32
    %c0_i32_0 = arith.constant 0 : i32
    %c0_i32_1 = arith.constant 0 : i32
    return %c0_i32, %c0_i32_0 : i32, i32
  }
  func.func @transform_10(%arg0: i32) -> (i32, i32, i32) {
    %c0_i32 = arith.constant 0 : i32
    %c0_i32_0 = arith.constant 0 : i32
    %c0_i32_1 = arith.constant 0 : i32
    return %c0_i32, %arg0, %c0_i32_0 : i32, i32, i32
  }
  func.func @transform_11(%arg0: i32) -> (i32, i32, i32) {
    %c0_i32 = arith.constant 0 : i32
    %c0_i32_0 = arith.constant 0 : i32
    %c0_i32_1 = arith.constant 0 : i32
    return %c0_i32, %arg0, %c0_i32_0 : i32, i32, i32
  }
  func.func @transform_12(%arg0: i32) -> (i32, i32, i32) {
    %c0_i32 = arith.constant 0 : i32
    %c0_i32_0 = arith.constant 0 : i32
    %c0_i32_1 = arith.constant 0 : i32
    return %c0_i32, %arg0, %c0_i32_0 : i32, i32, i32
  }
}

module attributes {stable_mosaic.version = 14 : i64} {
  func.func @_flash_body(%arg0: i32, %arg1: i32, %arg2: memref<1x512x64xf32, #tpu.memory_space<vmem>>, %arg3: memref<1x2048x64xf32, #tpu.memory_space<vmem>>, %arg4: memref<1x2048x64xf32, #tpu.memory_space<vmem>>, %arg5: memref<1x16xf32, #tpu.memory_space<smem>>, %arg6: memref<1x512x64xf32, #tpu.memory_space<vmem>>) attributes {dimension_semantics = [#tpu.dimension_semantics<arbitrary>, #tpu.dimension_semantics<arbitrary>], iteration_bounds = array<i64: 16, 4>, scalar_prefetch = 0 : i64, scratch_operands = 0 : i64, tpu.core_type = #tpu.core_type<tc>, window_params = [{transform_indices = @transform_0, window_bounds = array<i64: 1, 512, 64>}, {transform_indices = @transform_1, window_bounds = array<i64: 1, 2048, 64>}, {transform_indices = @transform_2, window_bounds = array<i64: 1, 2048, 64>}, {transform_indices = @transform_3, window_bounds = array<i64: 1, 16>}, {transform_indices = @transform_4, window_bounds = array<i64: 1, 512, 64>}]} {
    %get3A = arith.constant 0 : index
    %get3A_0 = arith.constant 0 : index
    %get3A_1 = arith.constant 0 : index
    %get3A_2 = vector.load %arg2[%get3A, %get3A_0, %get3A_1] : memref<1x512x64xf32, #tpu.memory_space<vmem>>, vector<1x512x64xf32>
    %get3A_3 = vector.shape_cast %get3A_2 : vector<1x512x64xf32> to vector<512x64xf32>
    %mul3A = arith.constant 512 : i32
    %mul3A_4 = arith.muli %arg1, %mul3A : i32
    %get3A_5 = arith.constant 0 : index
    %get3A_6 = arith.index_cast %mul3A_4 : i32 to index
    %get3A_7 = arith.constant 0 : index
    %get3A_8 = vector.load %arg3[%get3A_5, %get3A_6, %get3A_7] : memref<1x2048x64xf32, #tpu.memory_space<vmem>>, vector<1x512x64xf32>
    %get3A_9 = vector.shape_cast %get3A_8 : vector<1x512x64xf32> to vector<512x64xf32>
    %mul3A_10 = arith.constant 512 : i32
    %mul3A_11 = arith.muli %arg1, %mul3A_10 : i32
    %get3A_12 = arith.constant 0 : index
    %get3A_13 = arith.index_cast %mul3A_11 : i32 to index
    %get3A_14 = arith.constant 0 : index
    %get3A_15 = vector.load %arg4[%get3A_12, %get3A_13, %get3A_14] : memref<1x2048x64xf32, #tpu.memory_space<vmem>>, vector<1x512x64xf32>
    %get3A_16 = vector.shape_cast %get3A_15 : vector<1x512x64xf32> to vector<512x64xf32>
    %dot_general3A = arith.constant dense<0.000000e+00> : vector<512x512xf32>
    %dot_general3A_17 = tpu.matmul %get3A_3, %get3A_9, %dot_general3A {dimension_numbers = #tpu.dot_dimension_numbers<[1], [1], [0], [0], [0, 0, 1, 0], [], []>, transpose_lhs_hint = false} : vector<512x64xf32>, vector<512x64xf32>, vector<512x512xf32> -> vector<512x512xf32>
    %iota3A = tpu.iota {dimensions = array<i32: 0>} : vector<512x512xi32>
    %iota3A_18 = tpu.iota {dimensions = array<i32: 1>} : vector<512x512xi32>
    %le3A = arith.cmpi sle, %iota3A_18, %iota3A : vector<512x512xi32>
    %jit3A = arith.constant -1.000000e+30 : f32
    %broadcast_in_dim3A = vector.broadcast %jit3A : f32 to vector<512x512xf32>
    %select_n3A = arith.select %le3A, %dot_general3A_17, %broadcast_in_dim3A : vector<512x512xi1>, vector<512x512xf32>
    %reduce_max3A = arith.constant dense<0xFF800000> : vector<512xf32>
    %reduce_max3A_19 = vector.multi_reduction <maximumf>, %select_n3A, %reduce_max3A [1] : vector<512x512xf32> to vector<512xf32>
    %broadcast_in_dim3A_20 = vector.shape_cast %reduce_max3A_19 : vector<512xf32> to vector<512x1xf32>
    %sub3A = vector.broadcast %broadcast_in_dim3A_20 : vector<512x1xf32> to vector<512x512xf32>
    %sub3A_21 = arith.subf %select_n3A, %sub3A : vector<512x512xf32>
    %exp3A = math.exp %sub3A_21 : vector<512x512xf32>
    %reduce_sum3A = arith.constant dense<0.000000e+00> : vector<512xf32>
    %reduce_sum3A_22 = vector.multi_reduction <add>, %exp3A, %reduce_sum3A [1] : vector<512x512xf32> to vector<512xf32>
    %broadcast_in_dim3A_23 = vector.shape_cast %reduce_sum3A_22 : vector<512xf32> to vector<512x1xf32>
    %dot_general3A_24 = arith.constant dense<0.000000e+00> : vector<512x64xf32>
    %dot_general3A_25 = tpu.matmul %exp3A, %get3A_16, %dot_general3A_24 {dimension_numbers = #tpu.dot_dimension_numbers<[1], [0], [0], [1], [0, 0, 1, 1], [], []>, transpose_lhs_hint = false} : vector<512x512xf32>, vector<512x64xf32>, vector<512x64xf32> -> vector<512x64xf32>
    %while3A = arith.constant 0 : i32
    %while3A_26 = arith.subi %arg1, %while3A : i32
    %while3A_27 = arith.addi %while3A, %while3A_26 : i32
    %while3A_28 = arith.constant 1 : i32
    %while3A_29 = arith.divsi %while3A_26, %while3A_28 : i32
    %while3A_30 = arith.muli %while3A_29, %while3A_28 : i32
    %while3A_31 = arith.addi %while3A, %while3A_30 : i32
    %while3A_32 = arith.constant 1 : i32
    %while3A_33:3 = scf.for %while3A_54 = %while3A to %while3A_31 step %while3A_32 iter_args(%while3A_55 = %broadcast_in_dim3A_20, %while3A_56 = %broadcast_in_dim3A_23, %while3A_57 = %dot_general3A_25) -> (vector<512x1xf32>, vector<512x1xf32>, vector<512x64xf32>)  : i32 {
      %mul3A_58 = arith.constant 512 : i32
      %mul3A_59 = arith.muli %while3A_54, %mul3A_58 : i32
      %get3A_60 = arith.constant 0 : index
      %get3A_61 = arith.index_cast %mul3A_59 : i32 to index
      %get3A_62 = arith.constant 0 : index
      %get3A_63 = vector.load %arg3[%get3A_60, %get3A_61, %get3A_62] : memref<1x2048x64xf32, #tpu.memory_space<vmem>>, vector<1x512x64xf32>
      %get3A_64 = vector.shape_cast %get3A_63 : vector<1x512x64xf32> to vector<512x64xf32>
      %mul3A_65 = arith.constant 512 : i32
      %mul3A_66 = arith.muli %while3A_54, %mul3A_65 : i32
      %get3A_67 = arith.constant 0 : index
      %get3A_68 = arith.index_cast %mul3A_66 : i32 to index
      %get3A_69 = arith.constant 0 : index
      %get3A_70 = vector.load %arg4[%get3A_67, %get3A_68, %get3A_69] : memref<1x2048x64xf32, #tpu.memory_space<vmem>>, vector<1x512x64xf32>
      %get3A_71 = vector.shape_cast %get3A_70 : vector<1x512x64xf32> to vector<512x64xf32>
      %dot_general3A_72 = arith.constant dense<0.000000e+00> : vector<512x512xf32>
      %dot_general3A_73 = tpu.matmul %get3A_3, %get3A_64, %dot_general3A_72 {dimension_numbers = #tpu.dot_dimension_numbers<[1], [1], [0], [0], [0, 0, 1, 0], [], []>, transpose_lhs_hint = false} : vector<512x64xf32>, vector<512x64xf32>, vector<512x512xf32> -> vector<512x512xf32>
      %reduce_max3A_74 = arith.constant dense<0xFF800000> : vector<512xf32>
      %reduce_max3A_75 = vector.multi_reduction <maximumf>, %dot_general3A_73, %reduce_max3A_74 [1] : vector<512x512xf32> to vector<512xf32>
      %broadcast_in_dim3A_76 = vector.shape_cast %reduce_max3A_75 : vector<512xf32> to vector<512x1xf32>
      %max3A_77 = arith.maximumf %while3A_55, %broadcast_in_dim3A_76 : vector<512x1xf32>
      %sub3A_78 = vector.broadcast %max3A_77 : vector<512x1xf32> to vector<512x512xf32>
      %sub3A_79 = arith.subf %dot_general3A_73, %sub3A_78 : vector<512x512xf32>
      %exp3A_80 = math.exp %sub3A_79 : vector<512x512xf32>
      %sub3A_81 = arith.subf %while3A_55, %max3A_77 : vector<512x1xf32>
      %exp3A_82 = math.exp %sub3A_81 : vector<512x1xf32>
      %mul3A_83 = arith.mulf %while3A_56, %exp3A_82 : vector<512x1xf32>
      %reduce_sum3A_84 = arith.constant dense<0.000000e+00> : vector<512xf32>
      %reduce_sum3A_85 = vector.multi_reduction <add>, %exp3A_80, %reduce_sum3A_84 [1] : vector<512x512xf32> to vector<512xf32>
      %broadcast_in_dim3A_86 = vector.shape_cast %reduce_sum3A_85 : vector<512xf32> to vector<512x1xf32>
      %add3A_87 = arith.addf %mul3A_83, %broadcast_in_dim3A_86 : vector<512x1xf32>
      %mul3A_88 = vector.broadcast %exp3A_82 : vector<512x1xf32> to vector<512x64xf32>
      %mul3A_89 = arith.mulf %while3A_57, %mul3A_88 : vector<512x64xf32>
      %dot_general3A_90 = arith.constant dense<0.000000e+00> : vector<512x64xf32>
      %dot_general3A_91 = tpu.matmul %exp3A_80, %get3A_71, %dot_general3A_90 {dimension_numbers = #tpu.dot_dimension_numbers<[1], [0], [0], [1], [0, 0, 1, 1], [], []>, transpose_lhs_hint = false} : vector<512x512xf32>, vector<512x64xf32>, vector<512x64xf32> -> vector<512x64xf32>
      %add3A_92 = arith.addf %mul3A_89, %dot_general3A_91 : vector<512x64xf32>
      scf.yield %max3A_77, %add3A_87, %add3A_92 : vector<512x1xf32>, vector<512x1xf32>, vector<512x64xf32>
    }
    %while3A_34 = arith.constant 1 : i32
    %while3A_35:3 = scf.for %while3A_54 = %while3A_31 to %while3A_27 step %while3A_34 iter_args(%while3A_55 = %while3A_33#0, %while3A_56 = %while3A_33#1, %while3A_57 = %while3A_33#2) -> (vector<512x1xf32>, vector<512x1xf32>, vector<512x64xf32>)  : i32 {
      %mul3A_58 = arith.constant 512 : i32
      %mul3A_59 = arith.muli %while3A_54, %mul3A_58 : i32
      %get3A_60 = arith.constant 0 : index
      %get3A_61 = arith.index_cast %mul3A_59 : i32 to index
      %get3A_62 = arith.constant 0 : index
      %get3A_63 = vector.load %arg3[%get3A_60, %get3A_61, %get3A_62] : memref<1x2048x64xf32, #tpu.memory_space<vmem>>, vector<1x512x64xf32>
      %get3A_64 = vector.shape_cast %get3A_63 : vector<1x512x64xf32> to vector<512x64xf32>
      %mul3A_65 = arith.constant 512 : i32
      %mul3A_66 = arith.muli %while3A_54, %mul3A_65 : i32
      %get3A_67 = arith.constant 0 : index
      %get3A_68 = arith.index_cast %mul3A_66 : i32 to index
      %get3A_69 = arith.constant 0 : index
      %get3A_70 = vector.load %arg4[%get3A_67, %get3A_68, %get3A_69] : memref<1x2048x64xf32, #tpu.memory_space<vmem>>, vector<1x512x64xf32>
      %get3A_71 = vector.shape_cast %get3A_70 : vector<1x512x64xf32> to vector<512x64xf32>
      %dot_general3A_72 = arith.constant dense<0.000000e+00> : vector<512x512xf32>
      %dot_general3A_73 = tpu.matmul %get3A_3, %get3A_64, %dot_general3A_72 {dimension_numbers = #tpu.dot_dimension_numbers<[1], [1], [0], [0], [0, 0, 1, 0], [], []>, transpose_lhs_hint = false} : vector<512x64xf32>, vector<512x64xf32>, vector<512x512xf32> -> vector<512x512xf32>
      %reduce_max3A_74 = arith.constant dense<0xFF800000> : vector<512xf32>
      %reduce_max3A_75 = vector.multi_reduction <maximumf>, %dot_general3A_73, %reduce_max3A_74 [1] : vector<512x512xf32> to vector<512xf32>
      %broadcast_in_dim3A_76 = vector.shape_cast %reduce_max3A_75 : vector<512xf32> to vector<512x1xf32>
      %max3A_77 = arith.maximumf %while3A_55, %broadcast_in_dim3A_76 : vector<512x1xf32>
      %sub3A_78 = vector.broadcast %max3A_77 : vector<512x1xf32> to vector<512x512xf32>
      %sub3A_79 = arith.subf %dot_general3A_73, %sub3A_78 : vector<512x512xf32>
      %exp3A_80 = math.exp %sub3A_79 : vector<512x512xf32>
      %sub3A_81 = arith.subf %while3A_55, %max3A_77 : vector<512x1xf32>
      %exp3A_82 = math.exp %sub3A_81 : vector<512x1xf32>
      %mul3A_83 = arith.mulf %while3A_56, %exp3A_82 : vector<512x1xf32>
      %reduce_sum3A_84 = arith.constant dense<0.000000e+00> : vector<512xf32>
      %reduce_sum3A_85 = vector.multi_reduction <add>, %exp3A_80, %reduce_sum3A_84 [1] : vector<512x512xf32> to vector<512xf32>
      %broadcast_in_dim3A_86 = vector.shape_cast %reduce_sum3A_85 : vector<512xf32> to vector<512x1xf32>
      %add3A_87 = arith.addf %mul3A_83, %broadcast_in_dim3A_86 : vector<512x1xf32>
      %mul3A_88 = vector.broadcast %exp3A_82 : vector<512x1xf32> to vector<512x64xf32>
      %mul3A_89 = arith.mulf %while3A_57, %mul3A_88 : vector<512x64xf32>
      %dot_general3A_90 = arith.constant dense<0.000000e+00> : vector<512x64xf32>
      %dot_general3A_91 = tpu.matmul %exp3A_80, %get3A_71, %dot_general3A_90 {dimension_numbers = #tpu.dot_dimension_numbers<[1], [0], [0], [1], [0, 0, 1, 1], [], []>, transpose_lhs_hint = false} : vector<512x512xf32>, vector<512x64xf32>, vector<512x64xf32> -> vector<512x64xf32>
      %add3A_92 = arith.addf %mul3A_89, %dot_general3A_91 : vector<512x64xf32>
      scf.yield %max3A_77, %add3A_87, %add3A_92 : vector<512x1xf32>, vector<512x1xf32>, vector<512x64xf32>
    }
    %get3A_36 = arith.constant 0 : index
    %get3A_37 = arith.index_cast %arg0 : i32 to index
    %get3A_38 = memref.load %arg5[%get3A_36, %get3A_37] : memref<1x16xf32, #tpu.memory_space<smem>>
    %max3A = vector.broadcast %get3A_38 : f32 to vector<512x1xf32>
    %max3A_39 = arith.maximumf %while3A_35#0, %max3A : vector<512x1xf32>
    %sub3A_40 = arith.subf %while3A_35#0, %max3A_39 : vector<512x1xf32>
    %exp3A_41 = math.exp %sub3A_40 : vector<512x1xf32>
    %mul3A_42 = arith.mulf %while3A_35#1, %exp3A_41 : vector<512x1xf32>
    %sub3A_43 = vector.broadcast %get3A_38 : f32 to vector<512x1xf32>
    %sub3A_44 = arith.subf %sub3A_43, %max3A_39 : vector<512x1xf32>
    %exp3A_45 = math.exp %sub3A_44 : vector<512x1xf32>
    %add3A = arith.addf %mul3A_42, %exp3A_45 : vector<512x1xf32>
    %mul3A_46 = vector.broadcast %exp3A_41 : vector<512x1xf32> to vector<512x64xf32>
    %mul3A_47 = arith.mulf %while3A_35#2, %mul3A_46 : vector<512x64xf32>
    %div3A = vector.broadcast %add3A : vector<512x1xf32> to vector<512x64xf32>
    %div3A_48 = arith.divf %mul3A_47, %div3A : vector<512x64xf32>
    %swap3A = arith.constant 0 : index
    %swap3A_49 = arith.constant 0 : index
    %swap3A_50 = arith.constant 0 : index
    %swap3A_51 = vector.load %arg6[%swap3A, %swap3A_49, %swap3A_50] : memref<1x512x64xf32, #tpu.memory_space<vmem>>, vector<1x512x64xf32>
    %swap3A_52 = vector.shape_cast %swap3A_51 : vector<1x512x64xf32> to vector<512x64xf32>
    %swap3A_53 = vector.shape_cast %div3A_48 : vector<512x64xf32> to vector<1x512x64xf32>
    tpu.vector_store %arg6[%swap3A, %swap3A_49, %swap3A_50], %swap3A_53 {strides = array<i32>} : memref<1x512x64xf32, #tpu.memory_space<vmem>>, vector<1x512x64xf32>,
    return
  }
  func.func @transform_0(%arg0: i32, %arg1: i32) -> (i32, i32, i32) {
    %c0_i32 = arith.constant 0 : i32
    %c0_i32_0 = arith.constant 0 : i32
    return %arg0, %arg1, %c0_i32 : i32, i32, i32
  }
  func.func @transform_1(%arg0: i32, %arg1: i32) -> (i32, i32, i32) {
    %jit3A = arith.constant 4 : i32
    %div3A = arith.divsi %arg0, %jit3A : i32
    %sign3A = arith.constant 0 : i32
    %sign3A_0 = arith.cmpi sgt, %arg0, %sign3A : i32
    %sign3A_1 = arith.extui %sign3A_0 : i1 to i32
    %sign3A_2 = arith.constant 0 : i32
    %sign3A_3 = arith.cmpi slt, %arg0, %sign3A_2 : i32
    %sign3A_4 = arith.extui %sign3A_3 : i1 to i32
    %sign3A_5 = arith.subi %sign3A_1, %sign3A_4 : i32
    %sign3A_6 = arith.constant 0 : i32
    %sign3A_7 = arith.cmpi sgt, %jit3A, %sign3A_6 : i32
    %sign3A_8 = arith.extui %sign3A_7 : i1 to i32
    %sign3A_9 = arith.constant 0 : i32
    %sign3A_10 = arith.cmpi slt, %jit3A, %sign3A_9 : i32
    %sign3A_11 = arith.extui %sign3A_10 : i1 to i32
    %sign3A_12 = arith.subi %sign3A_8, %sign3A_11 : i32
    %ne3A = arith.cmpi ne, %sign3A_5, %sign3A_12 : i32
    %rem3A = arith.remsi %arg0, %jit3A : i32
    %ne3A_13 = arith.constant 0 : i32
    %ne3A_14 = arith.cmpi ne, %rem3A, %ne3A_13 : i32
    %and3A = arith.andi %ne3A, %ne3A_14 : i1
    %sub3A = arith.constant 1 : i32
    %sub3A_15 = arith.subi %div3A, %sub3A : i32
    %select_n3A = arith.select %and3A, %sub3A_15, %div3A : i32
    %c0_i32 = arith.constant 0 : i32
    %c0_i32_16 = arith.constant 0 : i32
    %c0_i32_17 = arith.constant 0 : i32
    return %select_n3A, %c0_i32, %c0_i32_16 : i32, i32, i32
  }
  func.func @transform_2(%arg0: i32, %arg1: i32) -> (i32, i32, i32) {
    %jit3A = arith.constant 4 : i32
    %div3A = arith.divsi %arg0, %jit3A : i32
    %sign3A = arith.constant 0 : i32
    %sign3A_0 = arith.cmpi sgt, %arg0, %sign3A : i32
    %sign3A_1 = arith.extui %sign3A_0 : i1 to i32
    %sign3A_2 = arith.constant 0 : i32
    %sign3A_3 = arith.cmpi slt, %arg0, %sign3A_2 : i32
    %sign3A_4 = arith.extui %sign3A_3 : i1 to i32
    %sign3A_5 = arith.subi %sign3A_1, %sign3A_4 : i32
    %sign3A_6 = arith.constant 0 : i32
    %sign3A_7 = arith.cmpi sgt, %jit3A, %sign3A_6 : i32
    %sign3A_8 = arith.extui %sign3A_7 : i1 to i32
    %sign3A_9 = arith.constant 0 : i32
    %sign3A_10 = arith.cmpi slt, %jit3A, %sign3A_9 : i32
    %sign3A_11 = arith.extui %sign3A_10 : i1 to i32
    %sign3A_12 = arith.subi %sign3A_8, %sign3A_11 : i32
    %ne3A = arith.cmpi ne, %sign3A_5, %sign3A_12 : i32
    %rem3A = arith.remsi %arg0, %jit3A : i32
    %ne3A_13 = arith.constant 0 : i32
    %ne3A_14 = arith.cmpi ne, %rem3A, %ne3A_13 : i32
    %and3A = arith.andi %ne3A, %ne3A_14 : i1
    %sub3A = arith.constant 1 : i32
    %sub3A_15 = arith.subi %div3A, %sub3A : i32
    %select_n3A = arith.select %and3A, %sub3A_15, %div3A : i32
    %c0_i32 = arith.constant 0 : i32
    %c0_i32_16 = arith.constant 0 : i32
    %c0_i32_17 = arith.constant 0 : i32
    return %select_n3A, %c0_i32, %c0_i32_16 : i32, i32, i32
  }
  func.func @transform_3(%arg0: i32, %arg1: i32) -> (i32, i32) {
    %c0_i32 = arith.constant 0 : i32
    %c0_i32_0 = arith.constant 0 : i32
    %c0_i32_1 = arith.constant 0 : i32
    return %c0_i32, %c0_i32_0 : i32, i32
  }
  func.func @transform_4(%arg0: i32, %arg1: i32) -> (i32, i32, i32) {
    %c0_i32 = arith.constant 0 : i32
    %c0_i32_0 = arith.constant 0 : i32
    return %arg0, %arg1, %c0_i32 : i32, i32, i32
  }
}

module attributes {stable_mosaic.version = 14 : i64} {
  func.func @_oproj_body(%arg0: i32, %arg1: memref<16x256x64xf32, #tpu.memory_space<vmem>>, %arg2: memref<1024x1024xf32, #tpu.memory_space<vmem>>, %arg3: memref<1x1024xf32, #tpu.memory_space<vmem>>, %arg4: memref<256x1024xf32, #tpu.memory_space<vmem>>, %arg5: memref<1x1024xf32, #tpu.memory_space<vmem>>, %arg6: memref<1024x128xf32, #tpu.memory_space<vmem>>, %arg7: memref<1x128xf32, #tpu.memory_space<vmem>>, %arg8: memref<256x1024xf32, #tpu.memory_space<vmem>>, %arg9: memref<256x1024xf32, #tpu.memory_space<vmem>>, %arg10: memref<256x128xf32, #tpu.memory_space<vmem>>) attributes {dimension_semantics = [#tpu.dimension_semantics<arbitrary>], iteration_bounds = array<i64: 8>, scalar_prefetch = 0 : i64, scratch_operands = 0 : i64, tpu.core_type = #tpu.core_type<tc>, window_params = [{transform_indices = @transform_0, window_bounds = array<i64: 16, 256, 64>}, {pipeline_mode = #tpu.pipeline_mode<synchronous>, transform_indices = @transform_1, window_bounds = array<i64: 1024, 1024>}, {pipeline_mode = #tpu.pipeline_mode<synchronous>, transform_indices = @transform_2, window_bounds = array<i64: 1, 1024>}, {transform_indices = @transform_3, window_bounds = array<i64: 256, 1024>}, {pipeline_mode = #tpu.pipeline_mode<synchronous>, transform_indices = @transform_4, window_bounds = array<i64: 1, 1024>}, {pipeline_mode = #tpu.pipeline_mode<synchronous>, transform_indices = @transform_5, window_bounds = array<i64: 1024, 128>}, {pipeline_mode = #tpu.pipeline_mode<synchronous>, transform_indices = @transform_6, window_bounds = array<i64: 1, 128>}, {transform_indices = @transform_7, window_bounds = array<i64: 256, 1024>}, {transform_indices = @transform_8, window_bounds = array<i64: 256, 1024>}, {transform_indices = @transform_9, window_bounds = array<i64: 256, 128>}]} {
    %get3A = arith.constant 0 : index
    %get3A_0 = arith.constant 0 : index
    %get3A_1 = arith.constant 0 : index
    %get3A_2 = vector.load %arg1[%get3A, %get3A_0, %get3A_1] : memref<16x256x64xf32, #tpu.memory_space<vmem>>, vector<16x256x64xf32>
    %transpose3A = tpu.transpose %get3A_2, [1, 0, 2] : vector<16x256x64xf32> -> vector<256x16x64xf32>
    %reshape3A = vector.shape_cast %transpose3A : vector<256x16x64xf32> to vector<256x1024xf32>
    %get3A_3 = arith.constant 0 : index
    %get3A_4 = arith.constant 0 : index
    %get3A_5 = vector.load %arg2[%get3A_3, %get3A_4] : memref<1024x1024xf32, #tpu.memory_space<vmem>>, vector<1024x1024xf32>
    %dot_general3A = arith.constant dense<0.000000e+00> : vector<256x1024xf32>
    %dot_general3A_6 = tpu.matmul %reshape3A, %get3A_5, %dot_general3A {dimension_numbers = #tpu.dot_dimension_numbers<[1], [0], [0], [1], [0, 0, 1, 1], [], []>, transpose_lhs_hint = false} : vector<256x1024xf32>, vector<1024x1024xf32>, vector<256x1024xf32> -> vector<256x1024xf32>
    %get3A_7 = arith.constant 0 : index
    %get3A_8 = arith.constant 0 : index
    %get3A_9 = vector.load %arg3[%get3A_7, %get3A_8] : memref<1x1024xf32, #tpu.memory_space<vmem>>, vector<1x1024xf32>
    %add3A = vector.broadcast %get3A_9 : vector<1x1024xf32> to vector<256x1024xf32>
    %add3A_10 = arith.addf %dot_general3A_6, %add3A : vector<256x1024xf32>
    %get3A_11 = arith.constant 0 : index
    %get3A_12 = arith.constant 0 : index
    %get3A_13 = vector.load %arg4[%get3A_11, %get3A_12] : memref<256x1024xf32, #tpu.memory_space<vmem>>, vector<256x1024xf32>
    %add3A_14 = arith.addf %add3A_10, %get3A_13 : vector<256x1024xf32>
    %swap3A = arith.constant 0 : index
    %swap3A_15 = arith.constant 0 : index
    %swap3A_16 = vector.load %arg8[%swap3A, %swap3A_15] : memref<256x1024xf32, #tpu.memory_space<vmem>>, vector<256x1024xf32>
    tpu.vector_store %arg8[%swap3A, %swap3A_15], %add3A_14 {strides = array<i32>} : memref<256x1024xf32, #tpu.memory_space<vmem>>, vector<256x1024xf32>,
    %mul3A = arith.mulf %add3A_14, %add3A_14 : vector<256x1024xf32>
    %reduce_sum3A = arith.constant dense<0.000000e+00> : vector<256xf32>
    %reduce_sum3A_17 = vector.multi_reduction <add>, %mul3A, %reduce_sum3A [1] : vector<256x1024xf32> to vector<256xf32>
    %broadcast_in_dim3A = vector.shape_cast %reduce_sum3A_17 : vector<256xf32> to vector<256x1xf32>
    %div3A = arith.constant 1.024000e+03 : f32
    %div3A_18 = vector.broadcast %div3A : f32 to vector<256x1xf32>
    %div3A_19 = arith.divf %broadcast_in_dim3A, %div3A_18 : vector<256x1xf32>
    %add3A_20 = arith.constant 9.99999974E-6 : f32
    %add3A_21 = vector.broadcast %add3A_20 : f32 to vector<256x1xf32>
    %add3A_22 = arith.addf %div3A_19, %add3A_21 : vector<256x1xf32>
    %rsqrt3A = math.rsqrt %add3A_22 : vector<256x1xf32>
    %mul3A_23 = vector.broadcast %rsqrt3A : vector<256x1xf32> to vector<256x1024xf32>
    %mul3A_24 = arith.mulf %add3A_14, %mul3A_23 : vector<256x1024xf32>
    %get3A_25 = arith.constant 0 : index
    %get3A_26 = arith.constant 0 : index
    %get3A_27 = vector.load %arg5[%get3A_25, %get3A_26] : memref<1x1024xf32, #tpu.memory_space<vmem>>, vector<1x1024xf32>
    %mul3A_28 = vector.broadcast %get3A_27 : vector<1x1024xf32> to vector<256x1024xf32>
    %mul3A_29 = arith.mulf %mul3A_24, %mul3A_28 : vector<256x1024xf32>
    %swap3A_30 = arith.constant 0 : index
    %swap3A_31 = arith.constant 0 : index
    %swap3A_32 = vector.load %arg9[%swap3A_30, %swap3A_31] : memref<256x1024xf32, #tpu.memory_space<vmem>>, vector<256x1024xf32>
    tpu.vector_store %arg9[%swap3A_30, %swap3A_31], %mul3A_29 {strides = array<i32>} : memref<256x1024xf32, #tpu.memory_space<vmem>>, vector<256x1024xf32>,
    %get3A_33 = arith.constant 0 : index
    %get3A_34 = arith.constant 0 : index
    %get3A_35 = vector.load %arg6[%get3A_33, %get3A_34] : memref<1024x128xf32, #tpu.memory_space<vmem>>, vector<1024x128xf32>
    %dot_general3A_36 = arith.constant dense<0.000000e+00> : vector<256x128xf32>
    %dot_general3A_37 = tpu.matmul %mul3A_29, %get3A_35, %dot_general3A_36 {dimension_numbers = #tpu.dot_dimension_numbers<[1], [0], [0], [1], [0, 0, 1, 1], [], []>, transpose_lhs_hint = false} : vector<256x1024xf32>, vector<1024x128xf32>, vector<256x128xf32> -> vector<256x128xf32>
    %get3A_38 = arith.constant 0 : index
    %get3A_39 = arith.constant 0 : index
    %get3A_40 = vector.load %arg7[%get3A_38, %get3A_39] : memref<1x128xf32, #tpu.memory_space<vmem>>, vector<1x128xf32>
    %add3A_41 = vector.broadcast %get3A_40 : vector<1x128xf32> to vector<256x128xf32>
    %add3A_42 = arith.addf %dot_general3A_37, %add3A_41 : vector<256x128xf32>
    %swap3A_43 = arith.constant 0 : index
    %swap3A_44 = arith.constant 0 : index
    %swap3A_45 = vector.load %arg10[%swap3A_43, %swap3A_44] : memref<256x128xf32, #tpu.memory_space<vmem>>, vector<256x128xf32>
    tpu.vector_store %arg10[%swap3A_43, %swap3A_44], %add3A_42 {strides = array<i32>} : memref<256x128xf32, #tpu.memory_space<vmem>>, vector<256x128xf32>,
    return
  }
  func.func @transform_0(%arg0: i32) -> (i32, i32, i32) {
    %c0_i32 = arith.constant 0 : i32
    %c0_i32_0 = arith.constant 0 : i32
    %c0_i32_1 = arith.constant 0 : i32
    return %c0_i32, %arg0, %c0_i32_0 : i32, i32, i32
  }
  func.func @transform_1(%arg0: i32) -> (i32, i32) {
    %c0_i32 = arith.constant 0 : i32
    %c0_i32_0 = arith.constant 0 : i32
    %c0_i32_1 = arith.constant 0 : i32
    return %c0_i32, %c0_i32_0 : i32, i32
  }
  func.func @transform_2(%arg0: i32) -> (i32, i32) {
    %c0_i32 = arith.constant 0 : i32
    %c0_i32_0 = arith.constant 0 : i32
    %c0_i32_1 = arith.constant 0 : i32
    return %c0_i32, %c0_i32_0 : i32, i32
  }
  func.func @transform_3(%arg0: i32) -> (i32, i32) {
    %c0_i32 = arith.constant 0 : i32
    %c0_i32_0 = arith.constant 0 : i32
    return %arg0, %c0_i32 : i32, i32
  }
  func.func @transform_4(%arg0: i32) -> (i32, i32) {
    %c0_i32 = arith.constant 0 : i32
    %c0_i32_0 = arith.constant 0 : i32
    %c0_i32_1 = arith.constant 0 : i32
    return %c0_i32, %c0_i32_0 : i32, i32
  }
  func.func @transform_5(%arg0: i32) -> (i32, i32) {
    %c0_i32 = arith.constant 0 : i32
    %c0_i32_0 = arith.constant 0 : i32
    %c0_i32_1 = arith.constant 0 : i32
    return %c0_i32, %c0_i32_0 : i32, i32
  }
  func.func @transform_6(%arg0: i32) -> (i32, i32) {
    %c0_i32 = arith.constant 0 : i32
    %c0_i32_0 = arith.constant 0 : i32
    %c0_i32_1 = arith.constant 0 : i32
    return %c0_i32, %c0_i32_0 : i32, i32
  }
  func.func @transform_7(%arg0: i32) -> (i32, i32) {
    %c0_i32 = arith.constant 0 : i32
    %c0_i32_0 = arith.constant 0 : i32
    return %arg0, %c0_i32 : i32, i32
  }
  func.func @transform_8(%arg0: i32) -> (i32, i32) {
    %c0_i32 = arith.constant 0 : i32
    %c0_i32_0 = arith.constant 0 : i32
    return %arg0, %c0_i32 : i32, i32
  }
  func.func @transform_9(%arg0: i32) -> (i32, i32) {
    %c0_i32 = arith.constant 0 : i32
    %c0_i32_0 = arith.constant 0 : i32
    return %arg0, %c0_i32 : i32, i32
  }
}

module attributes {stable_mosaic.version = 14 : i64} {
  func.func @_ffn_body(%arg0: i32, %arg1: memref<24xi32, #tpu.memory_space<smem>>, %arg2: memref<256x1024xf32, #tpu.memory_space<vmem>>, %arg3: memref<1x1024x1024xf32, #tpu.memory_space<vmem>>, %arg4: memref<1x1x1024xf32, #tpu.memory_space<vmem>>, %arg5: memref<1x1024x1024xf32, #tpu.memory_space<vmem>>, %arg6: memref<1x1x1024xf32, #tpu.memory_space<vmem>>, %arg7: memref<1x1024x1024xf32, #tpu.memory_space<vmem>>, %arg8: memref<1x1x1024xf32, #tpu.memory_space<vmem>>, %arg9: memref<1x1x256xf32, #tpu.memory_space<vmem>>, %arg10: memref<256x1024xf32, #tpu.memory_space<vmem>>) attributes {dimension_semantics = [#tpu.dimension_semantics<arbitrary>], iteration_bounds = array<i64: 24>, scalar_prefetch = 1 : i64, scratch_operands = 0 : i64, tpu.core_type = #tpu.core_type<tc>, window_params = [{transform_indices = @transform_0, window_bounds = array<i64: 256, 1024>}, {transform_indices = @transform_1, window_bounds = array<i64: 1, 1024, 1024>}, {transform_indices = @transform_2, window_bounds = array<i64: 1, 1, 1024>}, {transform_indices = @transform_3, window_bounds = array<i64: 1, 1024, 1024>}, {transform_indices = @transform_4, window_bounds = array<i64: 1, 1, 1024>}, {transform_indices = @transform_5, window_bounds = array<i64: 1, 1024, 1024>}, {transform_indices = @transform_6, window_bounds = array<i64: 1, 1, 1024>}, {transform_indices = @transform_7, window_bounds = array<i64: 1, 1, 256>}, {transform_indices = @transform_8, window_bounds = array<i64: 256, 1024>}]} {
    %get3A = arith.constant 0 : index
    %get3A_0 = arith.constant 0 : index
    %get3A_1 = vector.load %arg2[%get3A, %get3A_0] : memref<256x1024xf32, #tpu.memory_space<vmem>>, vector<256x1024xf32>
    %get3A_2 = arith.constant 0 : index
    %get3A_3 = arith.constant 0 : index
    %get3A_4 = arith.constant 0 : index
    %get3A_5 = vector.load %arg3[%get3A_2, %get3A_3, %get3A_4] : memref<1x1024x1024xf32, #tpu.memory_space<vmem>>, vector<1x1024x1024xf32>
    %get3A_6 = vector.shape_cast %get3A_5 : vector<1x1024x1024xf32> to vector<1024x1024xf32>
    %dot_general3A = arith.constant dense<0.000000e+00> : vector<256x1024xf32>
    %dot_general3A_7 = tpu.matmul %get3A_1, %get3A_6, %dot_general3A {dimension_numbers = #tpu.dot_dimension_numbers<[1], [0], [0], [1], [0, 0, 1, 1], [], []>, transpose_lhs_hint = false} : vector<256x1024xf32>, vector<1024x1024xf32>, vector<256x1024xf32> -> vector<256x1024xf32>
    %get3A_8 = arith.constant 0 : index
    %get3A_9 = arith.constant 0 : index
    %get3A_10 = arith.constant 0 : index
    %get3A_11 = vector.load %arg4[%get3A_8, %get3A_9, %get3A_10] : memref<1x1x1024xf32, #tpu.memory_space<vmem>>, vector<1x1x1024xf32>
    %get3A_12 = vector.shape_cast %get3A_11 : vector<1x1x1024xf32> to vector<1x1024xf32>
    %add3A = vector.broadcast %get3A_12 : vector<1x1024xf32> to vector<256x1024xf32>
    %add3A_13 = arith.addf %dot_general3A_7, %add3A : vector<256x1024xf32>
    %get3A_14 = arith.constant 0 : index
    %get3A_15 = arith.constant 0 : index
    %get3A_16 = arith.constant 0 : index
    %get3A_17 = vector.load %arg5[%get3A_14, %get3A_15, %get3A_16] : memref<1x1024x1024xf32, #tpu.memory_space<vmem>>, vector<1x1024x1024xf32>
    %get3A_18 = vector.shape_cast %get3A_17 : vector<1x1024x1024xf32> to vector<1024x1024xf32>
    %dot_general3A_19 = arith.constant dense<0.000000e+00> : vector<256x1024xf32>
    %dot_general3A_20 = tpu.matmul %get3A_1, %get3A_18, %dot_general3A_19 {dimension_numbers = #tpu.dot_dimension_numbers<[1], [0], [0], [1], [0, 0, 1, 1], [], []>, transpose_lhs_hint = false} : vector<256x1024xf32>, vector<1024x1024xf32>, vector<256x1024xf32> -> vector<256x1024xf32>
    %get3A_21 = arith.constant 0 : index
    %get3A_22 = arith.constant 0 : index
    %get3A_23 = arith.constant 0 : index
    %get3A_24 = vector.load %arg6[%get3A_21, %get3A_22, %get3A_23] : memref<1x1x1024xf32, #tpu.memory_space<vmem>>, vector<1x1x1024xf32>
    %get3A_25 = vector.shape_cast %get3A_24 : vector<1x1x1024xf32> to vector<1x1024xf32>
    %add3A_26 = vector.broadcast %get3A_25 : vector<1x1024xf32> to vector<256x1024xf32>
    %add3A_27 = arith.addf %dot_general3A_20, %add3A_26 : vector<256x1024xf32>
    %min3A = arith.constant 7.000000e+00 : f32
    %min3A_28 = vector.broadcast %min3A : f32 to vector<256x1024xf32>
    %min3A_29 = arith.minimumf %add3A_13, %min3A_28 : vector<256x1024xf32>
    %jit3A = arith.constant -7.000000e+00 : f32
    %jit3A_30 = arith.constant 7.000000e+00 : f32
    %max3A = vector.broadcast %jit3A : f32 to vector<256x1024xf32>
    %max3A_31 = arith.maximumf %max3A, %add3A_27 : vector<256x1024xf32>
    %min3A_32 = vector.broadcast %jit3A_30 : f32 to vector<256x1024xf32>
    %min3A_33 = arith.minimumf %min3A_32, %max3A_31 : vector<256x1024xf32>
    %mul3A = arith.constant -1.702000e+00 : f32
    %mul3A_34 = vector.broadcast %mul3A : f32 to vector<256x1024xf32>
    %mul3A_35 = arith.mulf %mul3A_34, %min3A_29 : vector<256x1024xf32>
    %exp3A = math.exp %mul3A_35 : vector<256x1024xf32>
    %add3A_36 = arith.constant 1.000000e+00 : f32
    %add3A_37 = vector.broadcast %add3A_36 : f32 to vector<256x1024xf32>
    %add3A_38 = arith.addf %add3A_37, %exp3A : vector<256x1024xf32>
    %div3A = arith.divf %min3A_29, %add3A_38 : vector<256x1024xf32>
    %add3A_39 = arith.constant 1.000000e+00 : f32
    %add3A_40 = vector.broadcast %add3A_39 : f32 to vector<256x1024xf32>
    %add3A_41 = arith.addf %min3A_33, %add3A_40 : vector<256x1024xf32>
    %mul3A_42 = arith.mulf %add3A_41, %div3A : vector<256x1024xf32>
    %get3A_43 = arith.constant 0 : index
    %get3A_44 = arith.constant 0 : index
    %get3A_45 = arith.constant 0 : index
    %get3A_46 = vector.load %arg7[%get3A_43, %get3A_44, %get3A_45] : memref<1x1024x1024xf32, #tpu.memory_space<vmem>>, vector<1x1024x1024xf32>
    %get3A_47 = vector.shape_cast %get3A_46 : vector<1x1024x1024xf32> to vector<1024x1024xf32>
    %dot_general3A_48 = arith.constant dense<0.000000e+00> : vector<256x1024xf32>
    %dot_general3A_49 = tpu.matmul %mul3A_42, %get3A_47, %dot_general3A_48 {dimension_numbers = #tpu.dot_dimension_numbers<[1], [0], [0], [1], [0, 0, 1, 1], [], []>, transpose_lhs_hint = false} : vector<256x1024xf32>, vector<1024x1024xf32>, vector<256x1024xf32> -> vector<256x1024xf32>
    %get3A_50 = arith.constant 0 : index
    %get3A_51 = arith.constant 0 : index
    %get3A_52 = arith.constant 0 : index
    %get3A_53 = vector.load %arg8[%get3A_50, %get3A_51, %get3A_52] : memref<1x1x1024xf32, #tpu.memory_space<vmem>>, vector<1x1x1024xf32>
    %get3A_54 = vector.shape_cast %get3A_53 : vector<1x1x1024xf32> to vector<1x1024xf32>
    %add3A_55 = vector.broadcast %get3A_54 : vector<1x1024xf32> to vector<256x1024xf32>
    %add3A_56 = arith.addf %dot_general3A_49, %add3A_55 : vector<256x1024xf32>
    %get3A_57 = arith.constant 0 : index
    %get3A_58 = arith.constant 0 : index
    %get3A_59 = arith.constant 0 : index
    %get3A_60 = vector.load %arg9[%get3A_57, %get3A_58, %get3A_59] : memref<1x1x256xf32, #tpu.memory_space<vmem>>, vector<1x1x256xf32>
    %get3A_61 = vector.shape_cast %get3A_60 : vector<1x1x256xf32> to vector<256xf32>
    %broadcast_in_dim3A = vector.shape_cast %get3A_61 : vector<256xf32> to vector<256x1xf32>
    %mul3A_62 = vector.broadcast %broadcast_in_dim3A : vector<256x1xf32> to vector<256x1024xf32>
    %mul3A_63 = arith.mulf %add3A_56, %mul3A_62 : vector<256x1024xf32>
    %swap3A = arith.constant 0 : index
    %swap3A_64 = arith.constant 0 : index
    %swap3A_65 = vector.load %arg10[%swap3A, %swap3A_64] : memref<256x1024xf32, #tpu.memory_space<vmem>>, vector<256x1024xf32>
    tpu.vector_store %arg10[%swap3A, %swap3A_64], %mul3A_63 {strides = array<i32>} : memref<256x1024xf32, #tpu.memory_space<vmem>>, vector<256x1024xf32>,
    return
  }
  func.func @transform_0(%arg0: i32, %arg1: memref<24xi32, #tpu.memory_space<smem>>) -> (i32, i32) {
    %c0_i32 = arith.constant 0 : i32
    %c0_i32_0 = arith.constant 0 : i32
    return %arg0, %c0_i32 : i32, i32
  }
  func.func @transform_1(%arg0: i32, %arg1: memref<24xi32, #tpu.memory_space<smem>>) -> (i32, i32, i32) {
    %get3A = arith.index_cast %arg0 : i32 to index
    %get3A_0 = memref.load %arg1[%get3A] : memref<24xi32, #tpu.memory_space<smem>>
    %c0_i32 = arith.constant 0 : i32
    %c0_i32_1 = arith.constant 0 : i32
    %c0_i32_2 = arith.constant 0 : i32
    return %get3A_0, %c0_i32, %c0_i32_1 : i32, i32, i32
  }
  func.func @transform_2(%arg0: i32, %arg1: memref<24xi32, #tpu.memory_space<smem>>) -> (i32, i32, i32) {
    %get3A = arith.index_cast %arg0 : i32 to index
    %get3A_0 = memref.load %arg1[%get3A] : memref<24xi32, #tpu.memory_space<smem>>
    %c0_i32 = arith.constant 0 : i32
    %c0_i32_1 = arith.constant 0 : i32
    %c0_i32_2 = arith.constant 0 : i32
    return %get3A_0, %c0_i32, %c0_i32_1 : i32, i32, i32
  }
  func.func @transform_3(%arg0: i32, %arg1: memref<24xi32, #tpu.memory_space<smem>>) -> (i32, i32, i32) {
    %get3A = arith.index_cast %arg0 : i32 to index
    %get3A_0 = memref.load %arg1[%get3A] : memref<24xi32, #tpu.memory_space<smem>>
    %c0_i32 = arith.constant 0 : i32
    %c0_i32_1 = arith.constant 0 : i32
    %c0_i32_2 = arith.constant 0 : i32
    return %get3A_0, %c0_i32, %c0_i32_1 : i32, i32, i32
  }
  func.func @transform_4(%arg0: i32, %arg1: memref<24xi32, #tpu.memory_space<smem>>) -> (i32, i32, i32) {
    %get3A = arith.index_cast %arg0 : i32 to index
    %get3A_0 = memref.load %arg1[%get3A] : memref<24xi32, #tpu.memory_space<smem>>
    %c0_i32 = arith.constant 0 : i32
    %c0_i32_1 = arith.constant 0 : i32
    %c0_i32_2 = arith.constant 0 : i32
    return %get3A_0, %c0_i32, %c0_i32_1 : i32, i32, i32
  }
  func.func @transform_5(%arg0: i32, %arg1: memref<24xi32, #tpu.memory_space<smem>>) -> (i32, i32, i32) {
    %get3A = arith.index_cast %arg0 : i32 to index
    %get3A_0 = memref.load %arg1[%get3A] : memref<24xi32, #tpu.memory_space<smem>>
    %c0_i32 = arith.constant 0 : i32
    %c0_i32_1 = arith.constant 0 : i32
    %c0_i32_2 = arith.constant 0 : i32
    return %get3A_0, %c0_i32, %c0_i32_1 : i32, i32, i32
  }
  func.func @transform_6(%arg0: i32, %arg1: memref<24xi32, #tpu.memory_space<smem>>) -> (i32, i32, i32) {
    %get3A = arith.index_cast %arg0 : i32 to index
    %get3A_0 = memref.load %arg1[%get3A] : memref<24xi32, #tpu.memory_space<smem>>
    %c0_i32 = arith.constant 0 : i32
    %c0_i32_1 = arith.constant 0 : i32
    %c0_i32_2 = arith.constant 0 : i32
    return %get3A_0, %c0_i32, %c0_i32_1 : i32, i32, i32
  }
  func.func @transform_7(%arg0: i32, %arg1: memref<24xi32, #tpu.memory_space<smem>>) -> (i32, i32, i32) {
    %c0_i32 = arith.constant 0 : i32
    %c0_i32_0 = arith.constant 0 : i32
    %c0_i32_1 = arith.constant 0 : i32
    return %arg0, %c0_i32, %c0_i32_0 : i32, i32, i32
  }
  func.func @transform_8(%arg0: i32, %arg1: memref<24xi32, #tpu.memory_space<smem>>) -> (i32, i32) {
    %c0_i32 = arith.constant 0 : i32
    %c0_i32_0 = arith.constant 0 : i32
    return %arg0, %c0_i32 : i32, i32
  }
}

module attributes {stable_mosaic.version = 14 : i64} {
  func.func @_combine_body(%arg0: i32, %arg1: memref<256x1024xf32, #tpu.memory_space<vmem>>, %arg2: memref<256x1024xf32, #tpu.memory_space<vmem>>, %arg3: memref<256x1024xf32, #tpu.memory_space<vmem>>, %arg4: memref<256x1024xf32, #tpu.memory_space<vmem>>) attributes {dimension_semantics = [#tpu.dimension_semantics<arbitrary>], iteration_bounds = array<i64: 8>, scalar_prefetch = 0 : i64, scratch_operands = 0 : i64, tpu.core_type = #tpu.core_type<tc>, window_params = [{transform_indices = @transform_0, window_bounds = array<i64: 256, 1024>}, {transform_indices = @transform_1, window_bounds = array<i64: 256, 1024>}, {transform_indices = @transform_2, window_bounds = array<i64: 256, 1024>}, {transform_indices = @transform_3, window_bounds = array<i64: 256, 1024>}]} {
    %get3A = arith.constant 0 : index
    %get3A_0 = arith.constant 0 : index
    %get3A_1 = vector.load %arg1[%get3A, %get3A_0] : memref<256x1024xf32, #tpu.memory_space<vmem>>, vector<256x1024xf32>
    %get3A_2 = arith.constant 0 : index
    %get3A_3 = arith.constant 0 : index
    %get3A_4 = vector.load %arg2[%get3A_2, %get3A_3] : memref<256x1024xf32, #tpu.memory_space<vmem>>, vector<256x1024xf32>
    %add3A = arith.addf %get3A_1, %get3A_4 : vector<256x1024xf32>
    %get3A_5 = arith.constant 0 : index
    %get3A_6 = arith.constant 0 : index
    %get3A_7 = vector.load %arg3[%get3A_5, %get3A_6] : memref<256x1024xf32, #tpu.memory_space<vmem>>, vector<256x1024xf32>
    %add3A_8 = arith.addf %add3A, %get3A_7 : vector<256x1024xf32>
    %swap3A = arith.constant 0 : index
    %swap3A_9 = arith.constant 0 : index
    %swap3A_10 = vector.load %arg4[%swap3A, %swap3A_9] : memref<256x1024xf32, #tpu.memory_space<vmem>>, vector<256x1024xf32>
    tpu.vector_store %arg4[%swap3A, %swap3A_9], %add3A_8 {strides = array<i32>} : memref<256x1024xf32, #tpu.memory_space<vmem>>, vector<256x1024xf32>,
    return
  }
  func.func @transform_0(%arg0: i32) -> (i32, i32) {
    %c0_i32 = arith.constant 0 : i32
    %c0_i32_0 = arith.constant 0 : i32
    return %arg0, %c0_i32 : i32, i32
  }
  func.func @transform_1(%arg0: i32) -> (i32, i32) {
    %c0_i32 = arith.constant 0 : i32
    %c0_i32_0 = arith.constant 0 : i32
    return %arg0, %c0_i32 : i32, i32
  }
  func.func @transform_2(%arg0: i32) -> (i32, i32) {
    %add3A = arith.constant 8 : i32
    %add3A_0 = arith.addi %arg0, %add3A : i32
    %c0_i32 = arith.constant 0 : i32
    %c0_i32_1 = arith.constant 0 : i32
    return %add3A_0, %c0_i32 : i32, i32
  }
  func.func @transform_3(%arg0: i32) -> (i32, i32) {
    %c0_i32 = arith.constant 0 : i32
    %c0_i32_0 = arith.constant 0 : i32
    return %arg0, %c0_i32 : i32, i32
  }
}

</mosaic_0001>

<sc_bundles>
// kernel: gather_offload_async_start.1
scs
__scs_entry_jumppad:
0x0: {  	(pc) =	sbr.rel $0x88, $3  }
0x1: {  	(tag) =	ssettag $0x0;
	lr =	simm.s32 $0x1  }
0x2: {  	[smem:$0x3F8B] =	sst lr;
	_ =	strace $0xD0000000  }
0x3: {  	_ = 	snop  }
0x4: {  	_ = 	snop  }
0x5: {  	_ = 	snop  }
0x6: {  	_ = 	snop  }
0x7: {  	_ = 	snop  }
__scs_overlays_trampoline_lowered:
0x8: {  	[smem:$0x3F9A] =	sst s0  }
0x9: {  	[smem:$0x3F9B] =	sst s1  }
0xa: {  	[smem:$0x3F9C] =	sst s2  }
0xb: {  	[smem:$0x3F9D] =	sst s3  }
0xc: {  	[smem:$0x3F9E] =	sst s4  }
0xd: {  	[smem:$0x3F9F] =	sst s5  }
0xe: {  	[smem:$0x3FA0] =	sst s6  }
0xf: {  	[smem:$0x3FA1] =	sst s7  }
0x10: {  	[smem:$0x3FA2] =	sst s8  }
0x11: {  	[smem:$0x3FA3] =	sst s9;
	s0 =	simm.s32 @!p0 $0x0  }
0x12: {  	s1 =	sld [smem:$0x3F89];
	s0 =	simm.s32 @p0 $0x1  }
0x13: {  	[smem:$0x3FA4] =	sst s0;
	s0 =	simm.s32 @!p1 $0x0  }
0x14: {  	s2 =	sld [smem:$0x3F88];
	s0 =	simm.s32 @p1 $0x1  }
0x15: {  	[smem:$0x3FA5] =	sst s0;
	s0 =	simm.s32 @!p2 $0x0  }
0x16: {  	s3 =	sld [smem:$0x3FDB];
	s0 =	simm.s32 @p2 $0x1  }
0x17: {  	s4 =	simm.s32 $0x1BF5;
	[smem:$0x3FA7] =	sst s0  }
0x18: {  	s0 =	sld [smem:$0x3F8A];
	_ =	swait.ge [sflag:s4], $0x0  }
0x19: {  	s7 =	sld [smem:$0x3F8B]  }
0x1a: {  	s8 =	sadd.s32 $0xFFFFE003, lr  }
0x1b: {  	s9 =	sadd.s32 $0xFFFFFEF7, lr;
	s5 =	simm.s32 $0xFFFFFFFF;
	p2 =	slt.u32 s8, $0xFFFFF086  }
0x1c: {  	p1 =	slt.u32 s9, $0xF7A;
	s5 =	simm.s32 @!p2 $0x0  }
0x1d: {  	s5 =	simm.s32 @p1 $0x1;
	p0 =	seq.s32 s7, s2  }
0x1e: {  	s7 =	smul.u32 @!p0 $0xF7A, s2;
	p2 =	seq.s32 @!p0 s5, $0x0  }
0x1f: {  	s9 =	smul.u32 $0xF7A, s1;
	s8 =	simm.s32 @!p0 $0x1BF5;
	p2 =	por !p2, p0  }
0x20: {  	[sflag:s8] =	ssyncset.s32 @!p0 $0xFFFFF086;
	s6 =	sadd.s32 @!p0 s3, s7;
	s7 =	simm.s32 @!p0 $0x108  }
0x21: {  	s3 =	sadd.s32 s3, s9;
	s6 =	sadd.s32 @!p0 $0x88, s6;
	s7 =	simm.s32 @p2 $0x1082  }
0x22: {  	[simem:s7], [sflag:s8] =	dma.local @!p0 [hbm:s6], $0xF7A  }
0x23: {  	s9 =	sor.u32 $0xD0000000, s2;
	s6 =	simm.s32 $0x108;
	_ =	swait.ge @!p0 [sflag:s8], $0x0  }
0x24: {  	s3 =	sadd.s32 $0x88, s3;
	s6 =	simm.s32 @!p1 $0x1082;
	[sflag:s4] =	ssyncset.s32 $0xFFFFF086  }
0x25: {  	[simem:s6], [sflag:s4] =	dma.local [hbm:s3], $0xF7A  }
0x26: {  	[smem:$0x3F8B] =	sst s1;
	(tag) =	ssettag s2;
	_ =	strace s9  }
0x27: {  	s1 =	sld [smem:$0x3F9B]  }
0x28: {  	s2 =	sld [smem:$0x3F9C]  }
0x29: {  	s4 =	sld [smem:$0x3F9E]  }
0x2a: {  	p0 =	seq.s32 s5, $0x0;
	s5 =	sld [smem:$0x3F9F]  }
0x2b: {  	s6 =	sld [smem:$0x3FA0]  }
0x2c: {  	s7 =	sld [smem:$0x3FA1]  }
0x2d: {  	s3 =	simm.s32 $0x108;
	s8 =	sld [smem:$0x3FA2]  }
0x2e: {  	s3 =	simm.s32 @!p0 $0x1082;
	s9 =	sld [smem:$0x3FA3]  }
0x2f: {  	lr =	sadd.s32 s0, s3;
	s0 =	sld [smem:$0x3F9A]  }
0x30: {  	s3 =	sld [smem:$0x3F9D]  }
0x31: {  	[smem:$0x3FA6] =	sst s10  }
0x32: {  	s10 =	sld [smem:$0x3FA4];
	_ =	sdelay $0x3  }
0x33: {  	p0 =	seq.s32 s10, $0x1;
	s10 =	sld [smem:$0x3FA6];
	_ =	sdelay $0x3  }
0x34: {  	[smem:$0x3FA6] =	sst s10  }
0x35: {  	s10 =	sld [smem:$0x3FA5];
	_ =	sdelay $0x3  }
0x36: {  	p1 =	seq.s32 s10, $0x1;
	s10 =	sld [smem:$0x3FA6];
	_ =	sdelay $0x3  }
0x37: {  	[smem:$0x3FA6] =	sst s10  }
0x38: {  	s10 =	sld [smem:$0x3FA7]  }
0x39: {  	_ = 	snop;
	(pc) =	sbr.ind lr, $3  }
0x3a: {  	_ = 	snop  }
0x3b: {  	_ = 	snop  }
0x3c: {  	p2 =	seq.s32 s10, $0x1;
	s10 =	sld [smem:$0x3FA6]  }
0x3d: {  	_ =	shalt  }
0x3e: {  	_ =	shalt  }
0x3f: {  	_ =	shalt  }
0x40: {  	_ =	shalt  }
0x41: {  	_ =	shalt  }
0x42: {  	_ =	shalt  }
0x43: {  	_ =	shalt  }
0x44: {  	_ =	shalt  }
0x45: {  	_ =	shalt  }
0x46: {  	_ =	shalt  }
0x47: {  	_ =	shalt  }
0x48: {  	_ =	shalt  }
0x49: {  	_ =	shalt  }
0x4a: {  	_ =	shalt  }
0x4b: {  	_ =	shalt  }
0x4c: {  	_ =	shalt  }
0x4d: {  	_ =	shalt  }
0x4e: {  	_ =	shalt  }
0x4f: {  	_ =	shalt  }
0x50: {  	_ =	shalt  }
0x51: {  	_ =	shalt  }
0x52: {  	_ =	shalt  }
0x53: {  	_ =	shalt  }
0x54: {  	_ =	shalt  }
0x55: {  	_ =	shalt  }
0x56: {  	_ =	shalt  }
0x57: {  	_ =	shalt  }
0x58: {  	_ =	shalt  }
0x59: {  	_ =	shalt  }
0x5a: {  	_ =	shalt  }
0x5b: {  	_ =	shalt  }
0x5c: {  	_ =	shalt  }
0x5d: {  	_ =	shalt  }
0x5e: {  	_ =	shalt  }
0x5f: {  	_ =	shalt  }
0x60: {  	_ =	shalt  }
0x61: {  	_ =	shalt  }
0x62: {  	_ =	shalt  }
0x63: {  	_ =	shalt  }
0x64: {  	_ =	shalt  }
0x65: {  	_ =	shalt  }
0x66: {  	_ =	shalt  }
0x67: {  	_ =	shalt  }
0x68: {  	_ =	shalt  }
0x69: {  	_ =	shalt  }
0x6a: {  	_ =	shalt  }
0x6b: {  	_ =	shalt  }
0x6c: {  	_ =	shalt  }
0x6d: {  	_ =	shalt  }
0x6e: {  	_ =	shalt  }
0x6f: {  	_ =	shalt  }
0x70: {  	_ =	shalt  }
0x71: {  	_ =	shalt  }
0x72: {  	_ =	shalt  }
0x73: {  	_ =	shalt  }
0x74: {  	_ =	shalt  }
0x75: {  	_ =	shalt  }
0x76: {  	_ =	shalt  }
0x77: {  	_ =	shalt  }
0x78: {  	_ =	shalt  }
0x79: {  	_ =	shalt  }
0x7a: {  	_ =	shalt  }
0x7b: {  	_ =	shalt  }
0x7c: {  	_ =	shalt  }
0x7d: {  	_ =	shalt  }
0x7e: {  	_ =	shalt  }
0x7f: {  	_ =	shalt  }
0x80: {  	_ =	shalt  }
0x81: {  	_ =	shalt  }
0x82: {  	_ =	shalt  }
0x83: {  	_ =	shalt  }
0x84: {  	_ =	shalt  }
0x85: {  	_ =	shalt  }
0x86: {  	_ =	shalt  }
0x87: {  	_ =	shalt  }
.Lfunc_end0:
.L_simem_size_0:
called_computation.1_lowered:
.L_overlay_start_0:
0x88: {  	s2 =	sld [smem:$0x3FD9]  }
0x89: {  	s3 =	sld [smem:$0x3FFE];
	_ =	sdelay $0x1  }
0x8a: {  	s1 =	srdreg.scid  }
0x8b: {  	s0 =	sand.u32 $0x1, s1  }
0x8c: {  	s16 =	sshll.u32 s0, $0xA;
	s2 =	sadd.s32 s3, s2  }
0x8d: {  	s2 =	sadd.s32 s2, s16  }
0x8e: {  	[smem:$0x3FB2] =	sst s2  }
0x8f: {  	_ = 	snop  }
0x90: {  	(tm) =	ssettm $0x1  }
0x91: {  	s17 =	sld [smem:$0x3FFB];
	_ =	sdelay $0x3  }
0x92: {  	_ =	strace s17  }
0x93: {  	s2 =	sld [smem:$0x3FFC];
	_ =	sdelay $0x3  }
0x94: {  	_ =	strace s2  }
0x95: {  	s2 =	sld [smem:$0x3FFD];
	_ =	sdelay $0x3  }
0x96: {  	_ =	strace s2  }
0x97: {  	_ =	strace $0x8FFFFFFF  }
0x98: {  	s18 =	sld [smem:$0x3FDB];
	_ =	sdelay $0x1  }
0x99: {  	s19 =	simm.s32 $_scs_section_size  }
0x9a: {  	s4 =	simm.s32 $_size__tile_overlayer_lowered;
	s5 =	simm.s32 $_tile_overlayer_lowered  }
0x9b: {  	s22 =	simm.s32 $0x1BFF;
	s21 =	sshll.u32 s5, $0x1;
	s2 =	sadd.s32 s19, s18  }
0x9c: {  	s6 =	simm.s32 $0x0;
	s20 =	sshll.u32 s4, $0x1;
	s4 =	sadd.s32 s21, s2  }
0x9d: {  	[timem:s6], [sflag:s22] =	dma.local [hbm:s4], s20  }
0x9e: {  	_ =	swait.ge [sflag:s22], s20  }
0x9f: {  	s3 =	ssub.s32 $0x0, s20;
	[sflag:s22] =	ssyncset.done $0x0  }
0xa0: {  	[sflag:s22] =	ssyncadd.s32 s3;
	_ =	sdelay $0x1  }
0xa1: {  	s23 =	simm.s32 $0x1B8B  }
0xa2: {  	_ =	swait.ge [sflag:s23], $0x1  }
0xa3: {  	[sflag:s23] =	ssyncset.done $0x0  }
0xa4: {  	s25 =	simm.s32 $0x1B8E;
	s24 =	sld [smem:$0x3FFE];
	[sflag:s23] =	ssyncadd.s32 $0xFFFFFFFF  }
0xa5: {  	s26 =	simm.s32 $execute0_lowered;
	[smem:$0x3FD2] =	sst s25  }
0xa6: {  	s4 =	sshll.u32 s26, $0x1;
	_ =	strace $0x80000049;
	[dreg:$0x1] =	wrdreg $0xFFFFFFFF  }
0xa7: {  	s28 =	simm.s32 $_size_execute0_lowered;
	s2 =	sadd.s32 s2, s4;
	[dreg:$0x0] =	wrdreg $0x0  }
0xa8: {  	s4 =	sshll.u32 s28, $0x1;
	[dreg:$0x2] =	wrdreg s2  }
0xa9: {  	[dreg:$0x3] =	wrdreg s4  }
0xaa: {  	[dreg:$0x4] =	wrdreg $0xC0  }
0xab: {  	_ =	task [dreg:s6], $0x5FFFF  }
0xac: {  	[dreg:$0x1] =	wrdreg $0xFFFFFFFF  }
0xad: {  	[dreg:$0x0] =	wrdreg $0x60  }
0xae: {  	[dreg:$0x2] =	wrdreg s24  }
0xaf: {  	[dreg:$0x3] =	wrdreg $0x9  }
0xb0: {  	_ =	task.clear_ibuf [dreg:s6], $0x4FFFF;
	_ =	strace $0x90000049  }
0xb1: {  	s29 =	simm.s32 $0x9;
	_ =	strace $0x8000004B  }
0xb2: {  	_ =	swait.ge [sflag:s29], $0x1  }
0xb3: {  	[sflag:s29] =	ssyncadd.s32 $0xFFFFFFFF  }
0xb4: {  	_ =	strace $0x9000004B  }
0xb5: {  	_ =	sfence  }
0xb6: {  	s30 =	sld [smem:$0x0];
	_ =	sdelay $0x2  }
0xb7: {  	s31 =	sshll.u32 s1, $0xD;
	s1 =	sshrl.u32 s1, $0x2  }
0xb8: {  	s3 =	sand.u32 $0x4000, s31;
	s1 =	sadd.s32 s1, s30  }
0xb9: {  	s0 =	sor.u32 s3, s0;
	s1 =	sshll.u32 s1, $0x11  }
0xba: {  	s0 =	sor.u32 s1, s0  }
0xbb: {  	s0 =	sadd.s32 $0x8F2B, s0  }
0xbc: {  	[sflag:s0] =	ssyncadd.remote.s32 $0x1  }
0xbd: {  	_ =	sfence.sel $0xFFFF  }
0xbe: {  	[dreg:$0x0] =	wrdreg $0xFFFFFFFF;
	(pc) =	sbr.abs _section_cstart, $3  }
0xbf: {  	[dreg:$0x1] =	wrdreg $0xFFFFFFFF  }
0xc0: {  	_ =	task.clear_ibuf [dreg:s6], $0x2FFFF;
	_ =	strace $0x9FFFFFFF  }
0xc1: {  	(tm) =	ssettm $0x7FFFFFFF  }
tec
execute0_lowered:
.L_overlay_start_1:
0x0: {  	(tag) =	ssettag $0x1  }
0x1: {  	s0 =	srdreg.scid;
	s5 =	rddreg [dreg:$0x0]  }
0x2: {  	s1 =	stileid.u32;
	s6 =	simm.s32 $0x1;
	s9 =	simm.s32 $0x1  }
0x3: {  	s10 =	simm.s32 $0x3;
	s13 =	simm.s32 $0x0;
	s2 =	sshll.u32 s0, $0x6  }
0x4: {  	s12 =	simm.s32 $0x0;
	s3 =	sshll.u32 s1, $0x7;
	s2 =	sand.u32 $0x40, s2  }
0x5: {  	s0 =	rddreg [dreg:$0x1];
	_ =	strace $0x8000004A;
	s2 =	sor.u32 s3, s2  }
0x6: {  	s4 =	sadd.s32 $0x40200, s5;
	[sflag:s6] =	ssyncpa.u1 $0x0;
	s8 =	ssub.s32 $0x1000, s2  }
.Ltmp0:
0x7: {  	s3 =	sadd.s32 $0x42000, s5;
	s7 =	sand.u32 $0x7C0, s8;
	(pc) =	sbr.rel .LBB2_1-.Ltmp0, $4  }
0x8: {  	s5 =	sadd.s32 $0x40000, s5;
	s11 =	smov.u32 s2;
	p0 =	sne.s32 s7, $0x0  }
0x9: {  	s8 =	sshrl.u32 s8, $0xB;
	s7 =	simm.s32 $0x2;
	s9 =	simm.s32 @!p0 $0x0  }
0xa: {  	[sflag:s7] =	ssyncpa.u1 $0x0;
	p0 =	por $0x0, $0x0;
	s8 =	sadd.s32 s9, s8  }
0xb: {  	vm0 =	vmmov $0xffff;
	[sflag:s10] =	ssyncpa.u1 $0x0;
	s10 =	simm.s32 $0x0;
	s9 =	sadd.s32 $0x1, s8  }
.LBB2_4:
0xc: {  	v2 =	vnsel vm1, $0x0, v2  }
0xd: {  	vm1 =	vgt.s32 v0, $0x0;
	v2 =	vmin.u32 v2, $0xFFF  }
0xe: {  	v0 =	vnsel vm1, $0x0, v0  }
0xf: {  	v0 =	vmin.u32 v0, $0xFFF  }
0x10: {  	[tilespmem:s15], [sflag:$0x1] =	stream.indirect_vreg.gather [hbm4b:s3+s10], $0x1, v1, vm0, $0x4038;
	[tilespmem:$0x100] =	vst v63  }
0x11: {  	(ifvalue) =	ssetifvalue $0x7FFFFFFF  }
0x12: {  	[tilespmem:s16], [sflag:$0x1] =	stream.indirect_vreg.gather [hbm4b:s3+s10], $0x1, v2, vm0, $0x4038;
	[tilespmem:$0x100] =	vst v63  }
0x13: {  	s29 =	sadd.s32 $0x10, s16;
	(ifvalue) =	ssetifvalue $0x7FFFFFFF  }
0x14: {  	[tilespmem:s29], [sflag:$0x1] =	stream.indirect_vreg.gather [hbm4b:s3+s10], $0x1, v0, vm0, $0x4038;
	[tilespmem:$0x100] =	vst v63  }
0x15: {  	_ =	swait.ge [sflag:s6], $0x40  }
0x16: {  	s30 =	sshrl.u32 s13, $0x3;
	[sflag:s6] =	ssyncset.done $0x0  }
0x17: {  	s31 =	sand.u32 $0x7, s13;
	s15 =	sadd.s32 s5, s30;
	[sflag:s6] =	ssyncadd.s32 $0xFFFFFFC0  }
0x18: {  	[hbm4b:s15+s31] =	stream.linear.scatter [tilespmem:s14], [sflag:$0x3], $0x40, $0x38;
	[tilespmem:$0x100] =	vst v63  }
.LBB2_5:
0x19: {  	s15 =	sadd.s32 $0x800, s11  }
0x1a: {  	p2 =	sgt.s32 s15, $0xFFF  }
0x1b: {  	s15 =	smov.u32 @p2 s2;
	p2 =	sne.s32 s12, s9  }
.Ltmp1:
0x1c: {  	p1 =	slt.u32 s12, $0x2;
	(pc) =	sbr.rel @!p2 .LBB2_6-.Ltmp1, $4  }
0x1d: {  	s14 =	simm.s32 @!p1 $0x3  }
0x1e: {  	s16 =	sadd.s32 $0x1, s12;
	_ =	swait.ge @!p1 [sflag:s14], $0x40  }
0x1f: {  	s13 =	smov.u32 s11;
	p0 =	por !p0, !p0;
	[sflag:s14] =	ssyncset.done @!p1 $0x0  }
0x20: {  	s12 =	smov.u32 s16;
	s11 =	smov.u32 s15;
	[sflag:s14] =	ssyncadd.s32 @!p1 $0xFFFFFFC0  }
.LBB2_1:
0x21: {  	p1 =	sge.u32 s12, s8  }
0x22: {  	s14 =	sxor.u32 @!p1 $0xFFFFFFFF, s12  }
0x23: {  	s31 =	sadd.s32 $0xFFFFFFFF, s12;
	s15 =	sshrl.u32 @!p1 s11, $0x3;
	s14 =	sshll.u32 @!p1 s14, $0x6  }
0x24: {  	s16 =	sand.u32 @!p1 $0x7, s11;
	s15 =	sadd.s32 @!p1 s4, s15;
	s14 =	sand.u32 @!p1 $0x40, s14  }
0x25: {  	[tilespmem:s14], [sflag:$0x2] =	stream.linear.gather @!p1 [hbm4b:s15+s16], $0x40, $0x38;
	[tilespmem:$0x100] =	vst v63  }
0x26: {  	p1 =	sge.u32 s31, s8  }
.Ltmp2:
0x27: {  	_ = 	snop;
	(pc) =	sbr.rel @p1 .LBB2_5-.Ltmp2, $1  }
0x28: {  	_ =	sdelay $0x3  }
0x29: {  	s14 =	simm.s32 $0x1  }
0x2a: {  	_ =	swait.ge [sflag:s7], $0x40;
	s14 =	simm.s32 @!p0 $0x0  }
0x2b: {  	[sflag:s7] =	ssyncset.done $0x0;
	s14 =	sshll.u32 s14, $0x6  }
0x2c: {  	[sflag:s7] =	ssyncadd.s32 $0xFFFFFFC0;
	(ifvalue) =	ssetifvalue $0x7FFFFFFF;
	v0 =	vld.msk [tilespmem:s14+$0x0 ss:$0x1], $0xffff;
	_ =	sdelay $0x4  }
0x2d: {  	s15 =	sadd.s32 $0x10, s14;
	vm1 =	vgt.s32 v0, $0x0  }
0x2e: {  	v2 =	vld.msk [tilespmem:s15+$0x0 ss:$0x1], $0xffff;
	v1 =	vnsel vm1, $0x0, v0  }
0x2f: {  	v1 =	vmin.u32 v1, $0xFFF;
	_ =	sdelay $0x1  }
0x30: {  	s16 =	sshll.u32 s12, $0x6;
	s18 =	simm.s32 $0x20  }
0x31: {  	s16 =	sand.u32 $0x40, s16;
	s17 =	sadd.s32 $0x10, s15;
	s15 =	sor.u32 $0x80, s14  }
0x32: {  	s14 =	sor.u32 $0x80, s16;
	s16 =	sadd.s32 $0x10, s15;
	v0 =	vld.msk [tilespmem:s17+$0x0 ss:$0x1], $0xffff;
	vm1 =	vgt.s32 v2, $0x0;
	(ifvalue) =	ssetifvalue $0x7FFFFFFF  }
.LBB2_3:
0x33: {  	[tilespmem:s15], [sflag:$0x1] =	stream.indirect_vreg.gather [hbm4b:s3+s10], $0x1, v1, vm0, $0x4038;
	[tilespmem:$0x100] =	vst v63  }
0x34: {  	s18 =	sadd.s32 $0x10, s18  }
0x35: {  	v2 =	vnsel vm1, $0x0, v2;
	p1 =	slt.u32 s18, $0x30  }
.Ltmp3:
0x36: {  	s15 =	smov.u32 s16;
	v1 =	vmin.u32 v2, $0xFFF;
	(pc) =	sbr.rel @p1 .LBB2_3-.Ltmp3, $3  }
0x37: {  	_ =	sdelay $0x1  }
0x38: {  	s17 =	sadd.s32 $0x10, s17  }
0x39: {  	vm1 =	vgt.s32 v0, $0x0;
	s16 =	sadd.s32 $0x10, s16;
	v2 =	vmov v0;
	(ifvalue) =	ssetifvalue $0x7FFFFFFF;
	v0 =	vld.msk [tilespmem:s17+$0x0 ss:$0x1], $0xffff  }
.Ltmp4:
0x3a: {  	_ = 	snop;
	(pc) =	sbr.rel .LBB2_4-.Ltmp4, $1  }
0x3b: {  	_ =	sdelay $0x3  }
.LBB2_6:
0x3c: {  	_ =	sfence.sel $0x180000  }
0x3d: {  	s2 =	simm.s32 $0x2;
	[bflag:$0x0] =	sbarrier.arrive $0xFFFF  }
0x3e: {  	s30 =	simm.s32 $0x3;
	[sflag:s2] =	ssyncpa.u1 $0x1  }
0x3f: {  	s31 =	simm.s32 $0x1;
	[sflag:s30] =	ssyncpa.u1 $0x1  }
0x40: {  	[sflag:s31] =	ssyncpa.u1 $0x1  }
0x41: {  	p0 =	sne.s32 s1, $0x0;
	_ =	strace $0x9000004A  }
0x42: {  	s0 =	sadd.s32 @!p0 $0x100000, s0;
	[bflag:$0x2] =	sbarrier.arrive $0xFFFF  }
0x43: {  	[sflag:s0] =	ssyncadd.tile.s32 @!p0 $0x1;
	_ =	shalt  }
.Lfunc_end2:
_tile_overlayer_lowered:
.L_overlay_start_2:
0x44: {  	(tag) =	ssettag $0x2  }
0x45: {  	s0 =	rddreg [dreg:$0x0];
	s2 =	stileid.u32  }
0x46: {  	s1 =	rddreg [dreg:$0x1];
	p0 =	sne.s32 s2, $0x0  }
0x47: {  	s3 =	rddreg [dreg:$0x2];
	[bflag:$0x3] =	sbarrier.arrive $0xFFFF;
	s2 =	simm.s32 @!p0 $0x1C01  }
0x48: {  	[timem:s3], [sflag:s2] =	dma.local @!p0 [hbm:s0], s1  }
0x49: {  	s0 =	simm.s32 @!p0 $0x1  }
0x4a: {  	_ =	swait.ge @!p0 [sflag:s0], s1  }
0x4b: {  	s1 =	ssub.s32 @!p0 $0x0, s1;
	[sflag:s0] =	ssyncset.done @!p0 $0x0  }
0x4c: {  	[sflag:s0] =	ssyncadd.s32 @!p0 s1  }
0x4d: {  	[bflag:$0x3] =	sbarrier.arrive $0xFFFF  }
0x4e: {  	_ =	shalt  }

// kernel: gather_offload_async_start
scs
__scs_entry_jumppad:
0x0: {  	(pc) =	sbr.rel $0x88, $3  }
0x1: {  	(tag) =	ssettag $0x0;
	lr =	simm.s32 $0x1  }
0x2: {  	[smem:$0x3F8B] =	sst lr;
	_ =	strace $0xD0000000  }
0x3: {  	_ = 	snop  }
0x4: {  	_ = 	snop  }
0x5: {  	_ = 	snop  }
0x6: {  	_ = 	snop  }
0x7: {  	_ = 	snop  }
__scs_overlays_trampoline_lowered:
0x8: {  	[smem:$0x3F9A] =	sst s0  }
0x9: {  	[smem:$0x3F9B] =	sst s1  }
0xa: {  	[smem:$0x3F9C] =	sst s2  }
0xb: {  	[smem:$0x3F9D] =	sst s3  }
0xc: {  	[smem:$0x3F9E] =	sst s4  }
0xd: {  	[smem:$0x3F9F] =	sst s5  }
0xe: {  	[smem:$0x3FA0] =	sst s6  }
0xf: {  	[smem:$0x3FA1] =	sst s7  }
0x10: {  	[smem:$0x3FA2] =	sst s8  }
0x11: {  	[smem:$0x3FA3] =	sst s9;
	s0 =	simm.s32 @!p0 $0x0  }
0x12: {  	s1 =	sld [smem:$0x3F89];
	s0 =	simm.s32 @p0 $0x1  }
0x13: {  	[smem:$0x3FA4] =	sst s0;
	s0 =	simm.s32 @!p1 $0x0  }
0x14: {  	s2 =	sld [smem:$0x3F88];
	s0 =	simm.s32 @p1 $0x1  }
0x15: {  	[smem:$0x3FA5] =	sst s0;
	s0 =	simm.s32 @!p2 $0x0  }
0x16: {  	s3 =	sld [smem:$0x3FDB];
	s0 =	simm.s32 @p2 $0x1  }
0x17: {  	s4 =	simm.s32 $0x1BF5;
	[smem:$0x3FA7] =	sst s0  }
0x18: {  	s0 =	sld [smem:$0x3F8A];
	_ =	swait.ge [sflag:s4], $0x0  }
0x19: {  	s7 =	sld [smem:$0x3F8B]  }
0x1a: {  	s8 =	sadd.s32 $0xFFFFE003, lr  }
0x1b: {  	s9 =	sadd.s32 $0xFFFFFEF7, lr;
	s5 =	simm.s32 $0xFFFFFFFF;
	p2 =	slt.u32 s8, $0xFFFFF086  }
0x1c: {  	p1 =	slt.u32 s9, $0xF7A;
	s5 =	simm.s32 @!p2 $0x0  }
0x1d: {  	s5 =	simm.s32 @p1 $0x1;
	p0 =	seq.s32 s7, s2  }
0x1e: {  	s7 =	smul.u32 @!p0 $0xF7A, s2;
	p2 =	seq.s32 @!p0 s5, $0x0  }
0x1f: {  	s9 =	smul.u32 $0xF7A, s1;
	s8 =	simm.s32 @!p0 $0x1BF5;
	p2 =	por !p2, p0  }
0x20: {  	[sflag:s8] =	ssyncset.s32 @!p0 $0xFFFFF086;
	s6 =	sadd.s32 @!p0 s3, s7;
	s7 =	simm.s32 @!p0 $0x108  }
0x21: {  	s3 =	sadd.s32 s3, s9;
	s6 =	sadd.s32 @!p0 $0x88, s6;
	s7 =	simm.s32 @p2 $0x1082  }
0x22: {  	[simem:s7], [sflag:s8] =	dma.local @!p0 [hbm:s6], $0xF7A  }
0x23: {  	s9 =	sor.u32 $0xD0000000, s2;
	s6 =	simm.s32 $0x108;
	_ =	swait.ge @!p0 [sflag:s8], $0x0  }
0x24: {  	s3 =	sadd.s32 $0x88, s3;
	s6 =	simm.s32 @!p1 $0x1082;
	[sflag:s4] =	ssyncset.s32 $0xFFFFF086  }
0x25: {  	[simem:s6], [sflag:s4] =	dma.local [hbm:s3], $0xF7A  }
0x26: {  	[smem:$0x3F8B] =	sst s1;
	(tag) =	ssettag s2;
	_ =	strace s9  }
0x27: {  	s1 =	sld [smem:$0x3F9B]  }
0x28: {  	s2 =	sld [smem:$0x3F9C]  }
0x29: {  	s4 =	sld [smem:$0x3F9E]  }
0x2a: {  	p0 =	seq.s32 s5, $0x0;
	s5 =	sld [smem:$0x3F9F]  }
0x2b: {  	s6 =	sld [smem:$0x3FA0]  }
0x2c: {  	s7 =	sld [smem:$0x3FA1]  }
0x2d: {  	s3 =	simm.s32 $0x108;
	s8 =	sld [smem:$0x3FA2]  }
0x2e: {  	s3 =	simm.s32 @!p0 $0x1082;
	s9 =	sld [smem:$0x3FA3]  }
0x2f: {  	lr =	sadd.s32 s0, s3;
	s0 =	sld [smem:$0x3F9A]  }
0x30: {  	s3 =	sld [smem:$0x3F9D]  }
0x31: {  	[smem:$0x3FA6] =	sst s10  }
0x32: {  	s10 =	sld [smem:$0x3FA4];
	_ =	sdelay $0x3  }
0x33: {  	p0 =	seq.s32 s10, $0x1;
	s10 =	sld [smem:$0x3FA6];
	_ =	sdelay $0x3  }
0x34: {  	[smem:$0x3FA6] =	sst s10  }
0x35: {  	s10 =	sld [smem:$0x3FA5];
	_ =	sdelay $0x3  }
0x36: {  	p1 =	seq.s32 s10, $0x1;
	s10 =	sld [smem:$0x3FA6];
	_ =	sdelay $0x3  }
0x37: {  	[smem:$0x3FA6] =	sst s10  }
0x38: {  	s10 =	sld [smem:$0x3FA7]  }
0x39: {  	_ = 	snop;
	(pc) =	sbr.ind lr, $3  }
0x3a: {  	_ = 	snop  }
0x3b: {  	_ = 	snop  }
0x3c: {  	p2 =	seq.s32 s10, $0x1;
	s10 =	sld [smem:$0x3FA6]  }
0x3d: {  	_ =	shalt  }
0x3e: {  	_ =	shalt  }
0x3f: {  	_ =	shalt  }
0x40: {  	_ =	shalt  }
0x41: {  	_ =	shalt  }
0x42: {  	_ =	shalt  }
0x43: {  	_ =	shalt  }
0x44: {  	_ =	shalt  }
0x45: {  	_ =	shalt  }
0x46: {  	_ =	shalt  }
0x47: {  	_ =	shalt  }
0x48: {  	_ =	shalt  }
0x49: {  	_ =	shalt  }
0x4a: {  	_ =	shalt  }
0x4b: {  	_ =	shalt  }
0x4c: {  	_ =	shalt  }
0x4d: {  	_ =	shalt  }
0x4e: {  	_ =	shalt  }
0x4f: {  	_ =	shalt  }
0x50: {  	_ =	shalt  }
0x51: {  	_ =	shalt  }
0x52: {  	_ =	shalt  }
0x53: {  	_ =	shalt  }
0x54: {  	_ =	shalt  }
0x55: {  	_ =	shalt  }
0x56: {  	_ =	shalt  }
0x57: {  	_ =	shalt  }
0x58: {  	_ =	shalt  }
0x59: {  	_ =	shalt  }
0x5a: {  	_ =	shalt  }
0x5b: {  	_ =	shalt  }
0x5c: {  	_ =	shalt  }
0x5d: {  	_ =	shalt  }
0x5e: {  	_ =	shalt  }
0x5f: {  	_ =	shalt  }
0x60: {  	_ =	shalt  }
0x61: {  	_ =	shalt  }
0x62: {  	_ =	shalt  }
0x63: {  	_ =	shalt  }
0x64: {  	_ =	shalt  }
0x65: {  	_ =	shalt  }
0x66: {  	_ =	shalt  }
0x67: {  	_ =	shalt  }
0x68: {  	_ =	shalt  }
0x69: {  	_ =	shalt  }
0x6a: {  	_ =	shalt  }
0x6b: {  	_ =	shalt  }
0x6c: {  	_ =	shalt  }
0x6d: {  	_ =	shalt  }
0x6e: {  	_ =	shalt  }
0x6f: {  	_ =	shalt  }
0x70: {  	_ =	shalt  }
0x71: {  	_ =	shalt  }
0x72: {  	_ =	shalt  }
0x73: {  	_ =	shalt  }
0x74: {  	_ =	shalt  }
0x75: {  	_ =	shalt  }
0x76: {  	_ =	shalt  }
0x77: {  	_ =	shalt  }
0x78: {  	_ =	shalt  }
0x79: {  	_ =	shalt  }
0x7a: {  	_ =	shalt  }
0x7b: {  	_ =	shalt  }
0x7c: {  	_ =	shalt  }
0x7d: {  	_ =	shalt  }
0x7e: {  	_ =	shalt  }
0x7f: {  	_ =	shalt  }
0x80: {  	_ =	shalt  }
0x81: {  	_ =	shalt  }
0x82: {  	_ =	shalt  }
0x83: {  	_ =	shalt  }
0x84: {  	_ =	shalt  }
0x85: {  	_ =	shalt  }
0x86: {  	_ =	shalt  }
0x87: {  	_ =	shalt  }
.Lfunc_end0:
.L_simem_size_0:
called_computation_lowered:
.L_overlay_start_0:
0x88: {  	s2 =	sld [smem:$0x3FD9]  }
0x89: {  	s3 =	sld [smem:$0x3FFE];
	_ =	sdelay $0x1  }
0x8a: {  	s1 =	srdreg.scid  }
0x8b: {  	s0 =	sand.u32 $0x1, s1  }
0x8c: {  	s16 =	sshll.u32 s0, $0xA;
	s2 =	sadd.s32 s3, s2  }
0x8d: {  	s2 =	sadd.s32 s2, s16  }
0x8e: {  	[smem:$0x3FB2] =	sst s2  }
0x8f: {  	_ = 	snop  }
0x90: {  	(tm) =	ssettm $0x1  }
0x91: {  	s17 =	sld [smem:$0x3FFB];
	_ =	sdelay $0x3  }
0x92: {  	_ =	strace s17  }
0x93: {  	s2 =	sld [smem:$0x3FFC];
	_ =	sdelay $0x3  }
0x94: {  	_ =	strace s2  }
0x95: {  	s2 =	sld [smem:$0x3FFD];
	_ =	sdelay $0x3  }
0x96: {  	_ =	strace s2  }
0x97: {  	_ =	strace $0x8FFFFFFF  }
0x98: {  	s18 =	sld [smem:$0x3FDB];
	_ =	sdelay $0x1  }
0x99: {  	s19 =	simm.s32 $_scs_section_size  }
0x9a: {  	s4 =	simm.s32 $_size__tile_overlayer_lowered;
	s5 =	simm.s32 $_tile_overlayer_lowered  }
0x9b: {  	s22 =	simm.s32 $0x1BFF;
	s21 =	sshll.u32 s5, $0x1;
	s2 =	sadd.s32 s19, s18  }
0x9c: {  	s6 =	simm.s32 $0x0;
	s20 =	sshll.u32 s4, $0x1;
	s4 =	sadd.s32 s21, s2  }
0x9d: {  	[timem:s6], [sflag:s22] =	dma.local [hbm:s4], s20  }
0x9e: {  	_ =	swait.ge [sflag:s22], s20  }
0x9f: {  	s3 =	ssub.s32 $0x0, s20;
	[sflag:s22] =	ssyncset.done $0x0  }
0xa0: {  	[sflag:s22] =	ssyncadd.s32 s3;
	_ =	sdelay $0x1  }
0xa1: {  	s23 =	simm.s32 $0x1B8B  }
0xa2: {  	_ =	swait.ge [sflag:s23], $0x1  }
0xa3: {  	[sflag:s23] =	ssyncset.done $0x0  }
0xa4: {  	s25 =	simm.s32 $0x1B8E;
	s24 =	sld [smem:$0x3FFE];
	[sflag:s23] =	ssyncadd.s32 $0xFFFFFFFF  }
0xa5: {  	s26 =	simm.s32 $execute0_lowered;
	[smem:$0x3FD2] =	sst s25  }
0xa6: {  	s4 =	sshll.u32 s26, $0x1;
	_ =	strace $0x80000046;
	[dreg:$0x1] =	wrdreg $0xFFFFFFFF  }
0xa7: {  	s28 =	simm.s32 $_size_execute0_lowered;
	s2 =	sadd.s32 s2, s4;
	[dreg:$0x0] =	wrdreg $0x0  }
0xa8: {  	s4 =	sshll.u32 s28, $0x1;
	[dreg:$0x2] =	wrdreg s2  }
0xa9: {  	[dreg:$0x3] =	wrdreg s4  }
0xaa: {  	[dreg:$0x4] =	wrdreg $0xC0  }
0xab: {  	_ =	task [dreg:s6], $0x5FFFF  }
0xac: {  	[dreg:$0x1] =	wrdreg $0xFFFFFFFF  }
0xad: {  	[dreg:$0x0] =	wrdreg $0x60  }
0xae: {  	[dreg:$0x2] =	wrdreg s24  }
0xaf: {  	[dreg:$0x3] =	wrdreg $0x9  }
0xb0: {  	_ =	task.clear_ibuf [dreg:s6], $0x4FFFF;
	_ =	strace $0x90000046  }
0xb1: {  	s29 =	simm.s32 $0x9;
	_ =	strace $0x80000048  }
0xb2: {  	_ =	swait.ge [sflag:s29], $0x1  }
0xb3: {  	[sflag:s29] =	ssyncadd.s32 $0xFFFFFFFF  }
0xb4: {  	_ =	strace $0x90000048  }
0xb5: {  	_ =	sfence  }
0xb6: {  	s30 =	sld [smem:$0x0];
	_ =	sdelay $0x2  }
0xb7: {  	s31 =	sshll.u32 s1, $0xD;
	s1 =	sshrl.u32 s1, $0x2  }
0xb8: {  	s3 =	sand.u32 $0x4000, s31;
	s1 =	sadd.s32 s1, s30  }
0xb9: {  	s0 =	sor.u32 s3, s0;
	s1 =	sshll.u32 s1, $0x11  }
0xba: {  	s0 =	sor.u32 s1, s0  }
0xbb: {  	s0 =	sadd.s32 $0x8F2B, s0  }
0xbc: {  	[sflag:s0] =	ssyncadd.remote.s32 $0x1  }
0xbd: {  	_ =	sfence.sel $0xFFFF  }
0xbe: {  	[dreg:$0x0] =	wrdreg $0xFFFFFFFF;
	(pc) =	sbr.abs _section_cstart, $3  }
0xbf: {  	[dreg:$0x1] =	wrdreg $0xFFFFFFFF  }
0xc0: {  	_ =	task.clear_ibuf [dreg:s6], $0x2FFFF;
	_ =	strace $0x9FFFFFFF  }
0xc1: {  	(tm) =	ssettm $0x7FFFFFFF  }
tec
execute0_lowered:
.L_overlay_start_1:
0x0: {  	(tag) =	ssettag $0x1  }
0x1: {  	s0 =	srdreg.scid;
	s5 =	rddreg [dreg:$0x0]  }
0x2: {  	s1 =	stileid.u32;
	s6 =	simm.s32 $0x1;
	s9 =	simm.s32 $0x1  }
0x3: {  	s10 =	simm.s32 $0x3;
	s13 =	simm.s32 $0x0;
	s2 =	sshll.u32 s0, $0x6  }
0x4: {  	s12 =	simm.s32 $0x0;
	s3 =	sshll.u32 s1, $0x7;
	s2 =	sand.u32 $0x40, s2  }
0x5: {  	s0 =	rddreg [dreg:$0x1];
	_ =	strace $0x80000047;
	s2 =	sor.u32 s3, s2  }
0x6: {  	s4 =	sadd.s32 $0x40200, s5;
	[sflag:s6] =	ssyncpa.u1 $0x0;
	s8 =	ssub.s32 $0x1000, s2  }
.Ltmp0:
0x7: {  	s3 =	sadd.s32 $0x40000, s5;
	s7 =	sand.u32 $0x7C0, s8;
	(pc) =	sbr.rel .LBB2_1-.Ltmp0, $4  }
0x8: {  	s5 =	sadd.s32 $0x42200, s5;
	s11 =	smov.u32 s2;
	p0 =	sne.s32 s7, $0x0  }
0x9: {  	s8 =	sshrl.u32 s8, $0xB;
	s7 =	simm.s32 $0x2;
	s9 =	simm.s32 @!p0 $0x0  }
0xa: {  	[sflag:s7] =	ssyncpa.u1 $0x0;
	p0 =	por $0x0, $0x0;
	s8 =	sadd.s32 s9, s8  }
0xb: {  	vm0 =	vmmov $0xffff;
	[sflag:s10] =	ssyncpa.u1 $0x0;
	s10 =	simm.s32 $0x0;
	s9 =	sadd.s32 $0x1, s8  }
.LBB2_4:
0xc: {  	v2 =	vnsel vm1, $0x0, v2  }
0xd: {  	vm1 =	vgt.s32 v0, $0x0;
	v2 =	vmin.u32 v2, $0xFFF  }
0xe: {  	v0 =	vnsel vm1, $0x0, v0  }
0xf: {  	v0 =	vmin.u32 v0, $0xFFF  }
0x10: {  	[tilespmem:s15], [sflag:$0x1] =	stream.indirect_vreg.gather [hbm4b:s3+s10], $0x1, v1, vm0, $0x4038;
	[tilespmem:$0x100] =	vst v63  }
0x11: {  	(ifvalue) =	ssetifvalue $0x7FFFFFFF  }
0x12: {  	[tilespmem:s16], [sflag:$0x1] =	stream.indirect_vreg.gather [hbm4b:s3+s10], $0x1, v2, vm0, $0x4038;
	[tilespmem:$0x100] =	vst v63  }
0x13: {  	s29 =	sadd.s32 $0x10, s16;
	(ifvalue) =	ssetifvalue $0x7FFFFFFF  }
0x14: {  	[tilespmem:s29], [sflag:$0x1] =	stream.indirect_vreg.gather [hbm4b:s3+s10], $0x1, v0, vm0, $0x4038;
	[tilespmem:$0x100] =	vst v63  }
0x15: {  	_ =	swait.ge [sflag:s6], $0x40  }
0x16: {  	s30 =	sshrl.u32 s13, $0x3;
	[sflag:s6] =	ssyncset.done $0x0  }
0x17: {  	s31 =	sand.u32 $0x7, s13;
	s15 =	sadd.s32 s5, s30;
	[sflag:s6] =	ssyncadd.s32 $0xFFFFFFC0  }
0x18: {  	[hbm4b:s15+s31] =	stream.linear.scatter [tilespmem:s14], [sflag:$0x3], $0x40, $0x38;
	[tilespmem:$0x100] =	vst v63  }
.LBB2_5:
0x19: {  	s15 =	sadd.s32 $0x800, s11  }
0x1a: {  	p2 =	sgt.s32 s15, $0xFFF  }
0x1b: {  	s15 =	smov.u32 @p2 s2;
	p2 =	sne.s32 s12, s9  }
.Ltmp1:
0x1c: {  	p1 =	slt.u32 s12, $0x2;
	(pc) =	sbr.rel @!p2 .LBB2_6-.Ltmp1, $4  }
0x1d: {  	s14 =	simm.s32 @!p1 $0x3  }
0x1e: {  	s16 =	sadd.s32 $0x1, s12;
	_ =	swait.ge @!p1 [sflag:s14], $0x40  }
0x1f: {  	s13 =	smov.u32 s11;
	p0 =	por !p0, !p0;
	[sflag:s14] =	ssyncset.done @!p1 $0x0  }
0x20: {  	s12 =	smov.u32 s16;
	s11 =	smov.u32 s15;
	[sflag:s14] =	ssyncadd.s32 @!p1 $0xFFFFFFC0  }
.LBB2_1:
0x21: {  	p1 =	sge.u32 s12, s8  }
0x22: {  	s14 =	sxor.u32 @!p1 $0xFFFFFFFF, s12  }
0x23: {  	s31 =	sadd.s32 $0xFFFFFFFF, s12;
	s15 =	sshrl.u32 @!p1 s11, $0x3;
	s14 =	sshll.u32 @!p1 s14, $0x6  }
0x24: {  	s16 =	sand.u32 @!p1 $0x7, s11;
	s15 =	sadd.s32 @!p1 s4, s15;
	s14 =	sand.u32 @!p1 $0x40, s14  }
0x25: {  	[tilespmem:s14], [sflag:$0x2] =	stream.linear.gather @!p1 [hbm4b:s15+s16], $0x40, $0x38;
	[tilespmem:$0x100] =	vst v63  }
0x26: {  	p1 =	sge.u32 s31, s8  }
.Ltmp2:
0x27: {  	_ = 	snop;
	(pc) =	sbr.rel @p1 .LBB2_5-.Ltmp2, $1  }
0x28: {  	_ =	sdelay $0x3  }
0x29: {  	s14 =	simm.s32 $0x1  }
0x2a: {  	_ =	swait.ge [sflag:s7], $0x40;
	s14 =	simm.s32 @!p0 $0x0  }
0x2b: {  	[sflag:s7] =	ssyncset.done $0x0;
	s14 =	sshll.u32 s14, $0x6  }
0x2c: {  	[sflag:s7] =	ssyncadd.s32 $0xFFFFFFC0;
	(ifvalue) =	ssetifvalue $0x7FFFFFFF;
	v0 =	vld.msk [tilespmem:s14+$0x0 ss:$0x1], $0xffff;
	_ =	sdelay $0x4  }
0x2d: {  	s15 =	sadd.s32 $0x10, s14;
	vm1 =	vgt.s32 v0, $0x0  }
0x2e: {  	v2 =	vld.msk [tilespmem:s15+$0x0 ss:$0x1], $0xffff;
	v1 =	vnsel vm1, $0x0, v0  }
0x2f: {  	v1 =	vmin.u32 v1, $0xFFF;
	_ =	sdelay $0x1  }
0x30: {  	s16 =	sshll.u32 s12, $0x6;
	s18 =	simm.s32 $0x20  }
0x31: {  	s16 =	sand.u32 $0x40, s16;
	s17 =	sadd.s32 $0x10, s15;
	s15 =	sor.u32 $0x80, s14  }
0x32: {  	s14 =	sor.u32 $0x80, s16;
	s16 =	sadd.s32 $0x10, s15;
	v0 =	vld.msk [tilespmem:s17+$0x0 ss:$0x1], $0xffff;
	vm1 =	vgt.s32 v2, $0x0;
	(ifvalue) =	ssetifvalue $0x7FFFFFFF  }
.LBB2_3:
0x33: {  	[tilespmem:s15], [sflag:$0x1] =	stream.indirect_vreg.gather [hbm4b:s3+s10], $0x1, v1, vm0, $0x4038;
	[tilespmem:$0x100] =	vst v63  }
0x34: {  	s18 =	sadd.s32 $0x10, s18  }
0x35: {  	v2 =	vnsel vm1, $0x0, v2;
	p1 =	slt.u32 s18, $0x30  }
.Ltmp3:
0x36: {  	s15 =	smov.u32 s16;
	v1 =	vmin.u32 v2, $0xFFF;
	(pc) =	sbr.rel @p1 .LBB2_3-.Ltmp3, $3  }
0x37: {  	_ =	sdelay $0x1  }
0x38: {  	s17 =	sadd.s32 $0x10, s17  }
0x39: {  	vm1 =	vgt.s32 v0, $0x0;
	s16 =	sadd.s32 $0x10, s16;
	v2 =	vmov v0;
	(ifvalue) =	ssetifvalue $0x7FFFFFFF;
	v0 =	vld.msk [tilespmem:s17+$0x0 ss:$0x1], $0xffff  }
.Ltmp4:
0x3a: {  	_ = 	snop;
	(pc) =	sbr.rel .LBB2_4-.Ltmp4, $1  }
0x3b: {  	_ =	sdelay $0x3  }
.LBB2_6:
0x3c: {  	_ =	sfence.sel $0x180000  }
0x3d: {  	s2 =	simm.s32 $0x2;
	[bflag:$0x0] =	sbarrier.arrive $0xFFFF  }
0x3e: {  	s30 =	simm.s32 $0x3;
	[sflag:s2] =	ssyncpa.u1 $0x1  }
0x3f: {  	s31 =	simm.s32 $0x1;
	[sflag:s30] =	ssyncpa.u1 $0x1  }
0x40: {  	[sflag:s31] =	ssyncpa.u1 $0x1  }
0x41: {  	p0 =	sne.s32 s1, $0x0;
	_ =	strace $0x90000047  }
0x42: {  	s0 =	sadd.s32 @!p0 $0x100000, s0;
	[bflag:$0x2] =	sbarrier.arrive $0xFFFF  }
0x43: {  	[sflag:s0] =	ssyncadd.tile.s32 @!p0 $0x1;
	_ =	shalt  }
.Lfunc_end2:
_tile_overlayer_lowered:
.L_overlay_start_2:
0x44: {  	(tag) =	ssettag $0x2  }
0x45: {  	s0 =	rddreg [dreg:$0x0];
	s2 =	stileid.u32  }
0x46: {  	s1 =	rddreg [dreg:$0x1];
	p0 =	sne.s32 s2, $0x0  }
0x47: {  	s3 =	rddreg [dreg:$0x2];
	[bflag:$0x3] =	sbarrier.arrive $0xFFFF;
	s2 =	simm.s32 @!p0 $0x1C01  }
0x48: {  	[timem:s3], [sflag:s2] =	dma.local @!p0 [hbm:s0], s1  }
0x49: {  	s0 =	simm.s32 @!p0 $0x1  }
0x4a: {  	_ =	swait.ge @!p0 [sflag:s0], s1  }
0x4b: {  	s1 =	ssub.s32 @!p0 $0x0, s1;
	[sflag:s0] =	ssyncset.done @!p0 $0x0  }
0x4c: {  	[sflag:s0] =	ssyncadd.s32 @!p0 s1  }
0x4d: {  	[bflag:$0x3] =	sbarrier.arrive $0xFFFF  }
0x4e: {  	_ =	shalt  }

// kernel: kernel.12.cloned.1.call-start
scs
__scs_entry_jumppad:
0x0: {  	(pc) =	sbr.rel $0x88, $3  }
0x1: {  	(tag) =	ssettag $0x0;
	lr =	simm.s32 $0x1  }
0x2: {  	[smem:$0x3F8B] =	sst lr;
	_ =	strace $0xD0000000  }
0x3: {  	_ = 	snop  }
0x4: {  	_ = 	snop  }
0x5: {  	_ = 	snop  }
0x6: {  	_ = 	snop  }
0x7: {  	_ = 	snop  }
__scs_overlays_trampoline_lowered:
0x8: {  	[smem:$0x3F9A] =	sst s0  }
0x9: {  	[smem:$0x3F9B] =	sst s1  }
0xa: {  	[smem:$0x3F9C] =	sst s2  }
0xb: {  	[smem:$0x3F9D] =	sst s3  }
0xc: {  	[smem:$0x3F9E] =	sst s4  }
0xd: {  	[smem:$0x3F9F] =	sst s5  }
0xe: {  	[smem:$0x3FA0] =	sst s6  }
0xf: {  	[smem:$0x3FA1] =	sst s7  }
0x10: {  	[smem:$0x3FA2] =	sst s8  }
0x11: {  	[smem:$0x3FA3] =	sst s9;
	s0 =	simm.s32 @!p0 $0x0  }
0x12: {  	s1 =	sld [smem:$0x3F89];
	s0 =	simm.s32 @p0 $0x1  }
0x13: {  	[smem:$0x3FA4] =	sst s0;
	s0 =	simm.s32 @!p1 $0x0  }
0x14: {  	s2 =	sld [smem:$0x3F88];
	s0 =	simm.s32 @p1 $0x1  }
0x15: {  	[smem:$0x3FA5] =	sst s0;
	s0 =	simm.s32 @!p2 $0x0  }
0x16: {  	s3 =	sld [smem:$0x3FDB];
	s0 =	simm.s32 @p2 $0x1  }
0x17: {  	s4 =	simm.s32 $0x1BF5;
	[smem:$0x3FA7] =	sst s0  }
0x18: {  	s0 =	sld [smem:$0x3F8A];
	_ =	swait.ge [sflag:s4], $0x0  }
0x19: {  	s7 =	sld [smem:$0x3F8B]  }
0x1a: {  	s8 =	sadd.s32 $0xFFFFE003, lr  }
0x1b: {  	s9 =	sadd.s32 $0xFFFFFEF7, lr;
	s5 =	simm.s32 $0xFFFFFFFF;
	p2 =	slt.u32 s8, $0xFFFFF086  }
0x1c: {  	p1 =	slt.u32 s9, $0xF7A;
	s5 =	simm.s32 @!p2 $0x0  }
0x1d: {  	s5 =	simm.s32 @p1 $0x1;
	p0 =	seq.s32 s7, s2  }
0x1e: {  	s7 =	smul.u32 @!p0 $0xF7A, s2;
	p2 =	seq.s32 @!p0 s5, $0x0  }
0x1f: {  	s9 =	smul.u32 $0xF7A, s1;
	s8 =	simm.s32 @!p0 $0x1BF5;
	p2 =	por !p2, p0  }
0x20: {  	[sflag:s8] =	ssyncset.s32 @!p0 $0xFFFFF086;
	s6 =	sadd.s32 @!p0 s3, s7;
	s7 =	simm.s32 @!p0 $0x108  }
0x21: {  	s3 =	sadd.s32 s3, s9;
	s6 =	sadd.s32 @!p0 $0x88, s6;
	s7 =	simm.s32 @p2 $0x1082  }
0x22: {  	[simem:s7], [sflag:s8] =	dma.local @!p0 [hbm:s6], $0xF7A  }
0x23: {  	s9 =	sor.u32 $0xD0000000, s2;
	s6 =	simm.s32 $0x108;
	_ =	swait.ge @!p0 [sflag:s8], $0x0  }
0x24: {  	s3 =	sadd.s32 $0x88, s3;
	s6 =	simm.s32 @!p1 $0x1082;
	[sflag:s4] =	ssyncset.s32 $0xFFFFF086  }
0x25: {  	[simem:s6], [sflag:s4] =	dma.local [hbm:s3], $0xF7A  }
0x26: {  	[smem:$0x3F8B] =	sst s1;
	(tag) =	ssettag s2;
	_ =	strace s9  }
0x27: {  	s1 =	sld [smem:$0x3F9B]  }
0x28: {  	s2 =	sld [smem:$0x3F9C]  }
0x29: {  	s4 =	sld [smem:$0x3F9E]  }
0x2a: {  	p0 =	seq.s32 s5, $0x0;
	s5 =	sld [smem:$0x3F9F]  }
0x2b: {  	s6 =	sld [smem:$0x3FA0]  }
0x2c: {  	s7 =	sld [smem:$0x3FA1]  }
0x2d: {  	s3 =	simm.s32 $0x108;
	s8 =	sld [smem:$0x3FA2]  }
0x2e: {  	s3 =	simm.s32 @!p0 $0x1082;
	s9 =	sld [smem:$0x3FA3]  }
0x2f: {  	lr =	sadd.s32 s0, s3;
	s0 =	sld [smem:$0x3F9A]  }
0x30: {  	s3 =	sld [smem:$0x3F9D]  }
0x31: {  	[smem:$0x3FA6] =	sst s10  }
0x32: {  	s10 =	sld [smem:$0x3FA4];
	_ =	sdelay $0x3  }
0x33: {  	p0 =	seq.s32 s10, $0x1;
	s10 =	sld [smem:$0x3FA6];
	_ =	sdelay $0x3  }
0x34: {  	[smem:$0x3FA6] =	sst s10  }
0x35: {  	s10 =	sld [smem:$0x3FA5];
	_ =	sdelay $0x3  }
0x36: {  	p1 =	seq.s32 s10, $0x1;
	s10 =	sld [smem:$0x3FA6];
	_ =	sdelay $0x3  }
0x37: {  	[smem:$0x3FA6] =	sst s10  }
0x38: {  	s10 =	sld [smem:$0x3FA7]  }
0x39: {  	_ = 	snop;
	(pc) =	sbr.ind lr, $3  }
0x3a: {  	_ = 	snop  }
0x3b: {  	_ = 	snop  }
0x3c: {  	p2 =	seq.s32 s10, $0x1;
	s10 =	sld [smem:$0x3FA6]  }
0x3d: {  	_ =	shalt  }
0x3e: {  	_ =	shalt  }
0x3f: {  	_ =	shalt  }
0x40: {  	_ =	shalt  }
0x41: {  	_ =	shalt  }
0x42: {  	_ =	shalt  }
0x43: {  	_ =	shalt  }
0x44: {  	_ =	shalt  }
0x45: {  	_ =	shalt  }
0x46: {  	_ =	shalt  }
0x47: {  	_ =	shalt  }
0x48: {  	_ =	shalt  }
0x49: {  	_ =	shalt  }
0x4a: {  	_ =	shalt  }
0x4b: {  	_ =	shalt  }
0x4c: {  	_ =	shalt  }
0x4d: {  	_ =	shalt  }
0x4e: {  	_ =	shalt  }
0x4f: {  	_ =	shalt  }
0x50: {  	_ =	shalt  }
0x51: {  	_ =	shalt  }
0x52: {  	_ =	shalt  }
0x53: {  	_ =	shalt  }
0x54: {  	_ =	shalt  }
0x55: {  	_ =	shalt  }
0x56: {  	_ =	shalt  }
0x57: {  	_ =	shalt  }
0x58: {  	_ =	shalt  }
0x59: {  	_ =	shalt  }
0x5a: {  	_ =	shalt  }
0x5b: {  	_ =	shalt  }
0x5c: {  	_ =	shalt  }
0x5d: {  	_ =	shalt  }
0x5e: {  	_ =	shalt  }
0x5f: {  	_ =	shalt  }
0x60: {  	_ =	shalt  }
0x61: {  	_ =	shalt  }
0x62: {  	_ =	shalt  }
0x63: {  	_ =	shalt  }
0x64: {  	_ =	shalt  }
0x65: {  	_ =	shalt  }
0x66: {  	_ =	shalt  }
0x67: {  	_ =	shalt  }
0x68: {  	_ =	shalt  }
0x69: {  	_ =	shalt  }
0x6a: {  	_ =	shalt  }
0x6b: {  	_ =	shalt  }
0x6c: {  	_ =	shalt  }
0x6d: {  	_ =	shalt  }
0x6e: {  	_ =	shalt  }
0x6f: {  	_ =	shalt  }
0x70: {  	_ =	shalt  }
0x71: {  	_ =	shalt  }
0x72: {  	_ =	shalt  }
0x73: {  	_ =	shalt  }
0x74: {  	_ =	shalt  }
0x75: {  	_ =	shalt  }
0x76: {  	_ =	shalt  }
0x77: {  	_ =	shalt  }
0x78: {  	_ =	shalt  }
0x79: {  	_ =	shalt  }
0x7a: {  	_ =	shalt  }
0x7b: {  	_ =	shalt  }
0x7c: {  	_ =	shalt  }
0x7d: {  	_ =	shalt  }
0x7e: {  	_ =	shalt  }
0x7f: {  	_ =	shalt  }
0x80: {  	_ =	shalt  }
0x81: {  	_ =	shalt  }
0x82: {  	_ =	shalt  }
0x83: {  	_ =	shalt  }
0x84: {  	_ =	shalt  }
0x85: {  	_ =	shalt  }
0x86: {  	_ =	shalt  }
0x87: {  	_ =	shalt  }
.Lfunc_end0:
.L_simem_size_0:
called_computation.3_lowered:
.L_overlay_start_0:
0x88: {  	s2 =	sld [smem:$0x3FD9]  }
0x89: {  	s3 =	sld [smem:$0x3FFE];
	_ =	sdelay $0x1  }
0x8a: {  	s1 =	srdreg.scid  }
0x8b: {  	s0 =	sand.u32 $0x1, s1  }
0x8c: {  	s16 =	sshll.u32 s0, $0xA;
	s2 =	sadd.s32 s3, s2  }
0x8d: {  	s2 =	sadd.s32 s2, s16  }
0x8e: {  	[smem:$0x3FB2] =	sst s2  }
0x8f: {  	_ = 	snop  }
0x90: {  	(tm) =	ssettm $0x1  }
0x91: {  	s17 =	sld [smem:$0x3FFB];
	_ =	sdelay $0x3  }
0x92: {  	_ =	strace s17  }
0x93: {  	s2 =	sld [smem:$0x3FFC];
	_ =	sdelay $0x3  }
0x94: {  	_ =	strace s2  }
0x95: {  	s2 =	sld [smem:$0x3FFD];
	_ =	sdelay $0x3  }
0x96: {  	_ =	strace s2  }
0x97: {  	_ =	strace $0x8FFFFFFF  }
0x98: {  	s18 =	sld [smem:$0x3FDB];
	_ =	sdelay $0x1  }
0x99: {  	s19 =	simm.s32 $_scs_section_size  }
0x9a: {  	s4 =	simm.s32 $_size__tile_overlayer_lowered;
	s5 =	simm.s32 $_tile_overlayer_lowered  }
0x9b: {  	s22 =	simm.s32 $0x1BFF;
	s21 =	sshll.u32 s5, $0x1;
	s2 =	sadd.s32 s19, s18  }
0x9c: {  	s6 =	simm.s32 $0x0;
	s20 =	sshll.u32 s4, $0x1;
	s4 =	sadd.s32 s21, s2  }
0x9d: {  	[timem:s6], [sflag:s22] =	dma.local [hbm:s4], s20  }
0x9e: {  	_ =	swait.ge [sflag:s22], s20  }
0x9f: {  	s3 =	ssub.s32 $0x0, s20;
	[sflag:s22] =	ssyncset.done $0x0  }
0xa0: {  	[sflag:s22] =	ssyncadd.s32 s3;
	_ =	sdelay $0x1  }
0xa1: {  	s23 =	simm.s32 $0x1B8B  }
0xa2: {  	_ =	swait.ge [sflag:s23], $0x1  }
0xa3: {  	[sflag:s23] =	ssyncset.done $0x0  }
0xa4: {  	s25 =	simm.s32 $0x1B8E;
	s24 =	sld [smem:$0x3FFE];
	[sflag:s23] =	ssyncadd.s32 $0xFFFFFFFF  }
0xa5: {  	s26 =	simm.s32 $execute0_lowered;
	[smem:$0x3FD2] =	sst s25  }
0xa6: {  	s4 =	sshll.u32 s26, $0x1;
	_ =	strace $0x8000004F;
	[dreg:$0x1] =	wrdreg $0xFFFFFFFF  }
0xa7: {  	s28 =	simm.s32 $_size_execute0_lowered;
	s2 =	sadd.s32 s2, s4;
	[dreg:$0x0] =	wrdreg $0x0  }
0xa8: {  	s4 =	sshll.u32 s28, $0x1;
	[dreg:$0x2] =	wrdreg s2  }
0xa9: {  	[dreg:$0x3] =	wrdreg s4  }
0xaa: {  	[dreg:$0x4] =	wrdreg $0xC0  }
0xab: {  	_ =	task [dreg:s6], $0x5FFFF  }
0xac: {  	[dreg:$0x1] =	wrdreg $0xFFFFFFFF  }
0xad: {  	[dreg:$0x0] =	wrdreg $0x60  }
0xae: {  	[dreg:$0x2] =	wrdreg s24  }
0xaf: {  	[dreg:$0x3] =	wrdreg $0x9  }
0xb0: {  	_ =	task.clear_ibuf [dreg:s6], $0x4FFFF;
	_ =	strace $0x9000004F  }
0xb1: {  	s29 =	simm.s32 $0x9;
	_ =	strace $0x80000051  }
0xb2: {  	_ =	swait.ge [sflag:s29], $0x1  }
0xb3: {  	[sflag:s29] =	ssyncadd.s32 $0xFFFFFFFF  }
0xb4: {  	_ =	strace $0x90000051  }
0xb5: {  	_ =	sfence  }
0xb6: {  	s30 =	sld [smem:$0x0];
	_ =	sdelay $0x2  }
0xb7: {  	s31 =	sshll.u32 s1, $0xD;
	s1 =	sshrl.u32 s1, $0x2  }
0xb8: {  	s3 =	sand.u32 $0x4000, s31;
	s1 =	sadd.s32 s1, s30  }
0xb9: {  	s0 =	sor.u32 s3, s0;
	s1 =	sshll.u32 s1, $0x11  }
0xba: {  	s0 =	sor.u32 s1, s0  }
0xbb: {  	s0 =	sadd.s32 $0x8F2B, s0  }
0xbc: {  	[sflag:s0] =	ssyncadd.remote.s32 $0x1  }
0xbd: {  	_ =	sfence.sel $0xFFFF  }
0xbe: {  	[dreg:$0x0] =	wrdreg $0xFFFFFFFF;
	(pc) =	sbr.abs _section_cstart, $3  }
0xbf: {  	[dreg:$0x1] =	wrdreg $0xFFFFFFFF  }
0xc0: {  	_ =	task.clear_ibuf [dreg:s6], $0x2FFFF;
	_ =	strace $0x9FFFFFFF  }
0xc1: {  	(tm) =	ssettm $0x7FFFFFFF  }
tec
execute0_lowered:
.L_overlay_start_1:
0x0: {  	(tag) =	ssettag $0x1  }
0x1: {  	s0 =	rddreg [dreg:$0x0]  }
0x2: {  	s1 =	srdreg.scid;
	s3 =	stileid.u32;
	s2 =	simm.s32 $0x0  }
0x3: {  	s18 =	simm.s32 $0x1;
	s20 =	simm.s32 $0x880;
	s21 =	simm.s32 $0x1080  }
0x4: {  	s22 =	simm.s32 $0x1880;
	s23 =	simm.s32 $0x2080;
	s28 =	simm.s32 $0x4080  }
0x5: {  	s29 =	simm.s32 $0x4880;
	s30 =	simm.s32 $0x5080;
	s31 =	simm.s32 $0x5880  }
0x6: {  	s10 =	simm.s32 $0x7080;
	s11 =	simm.s32 $0x7880;
	s12 =	simm.s32 $0x8080  }
0x7: {  	s13 =	simm.s32 $0x8880;
	s14 =	simm.s32 $0x9080;
	s15 =	simm.s32 $0x9880  }
0x8: {  	s16 =	simm.s32 $0xA080;
	s17 =	simm.s32 $0xA880;
	s1 =	sand.u32 $0x1, s1  }
0x9: {  	s3 =	sshll.u32 s3, $0x8;
	[smem:$0x7FF] =	sst s2;
	s6 =	sadd.s32 $0x100400, s0  }
0xa: {  	s4 =	sshll.u32 s1, $0x7;
	s1 =	ssub.s32 $0x2, s1;
	_ =	strace $0x80000050  }
0xb: {  	s5 =	sor.u32 s4, s3;
	s24 =	sshrl.u32 s1, $0x1;
	s4 =	sadd.s32 $0x100700, s0  }
0xc: {  	s3 =	sshrl.u32 s5, $0x3;
	s1 =	ssub.s32 s1, s24;
	s25 =	sshll.u32 s5, $0x7  }
0xd: {  	s8 =	sor.u32 $0x40, s5;
	s5 =	sadd.s32 $0x100800, s0;
	s24 =	simm.s32 $0x2880  }
0xe: {  	s7 =	sadd.s32 s6, s3;
	s3 =	sadd.s32 $0x100600, s0;
	s9 =	sshrl.u32 s8, $0x3  }
0xf: {  	s8 =	sshll.u32 s8, $0x7;
	[dreg:$0x2] =	wrdreg s7;
	s7 =	sadd.s32 s0, s25  }
0x10: {  	s26 =	sadd.s32 s6, s9;
	s6 =	sadd.s32 $0x100900, s0;
	[dreg:$0x3] =	wrdreg s7  }
0x11: {  	v2 =	vlaneseq.u32;
	s0 =	sadd.s32 s0, s8;
	s8 =	simm.s32 $0x2;
	[dreg:$0x4] =	wrdreg s26  }
0x12: {  	vm0 =	vmmov $0xffff;
	v1 =	vshrl.u32 v2, $0x3;
	s25 =	simm.s32 $0x3080;
	s9 =	simm.s32 $0xB080;
	[dreg:$0x5] =	wrdreg s0  }
0x13: {  	v0 =	vand.u32 $0x7, v2;
	v2 =	vor.u32 $0x8, v2;
	v1 =	vmul.u32 $0x8, v1;
	s7 =	smax.u32 s1, $0x1;
	s0 =	simm.s32 $0x80;
	s26 =	simm.s32 $0x3880  }
.LBB2_1:
0x14: {  	s19 =	rddreg [dreg:$0x2]  }
0x15: {  	[tilespmem:s2], [sflag:$0x2] =	stream.linear.gather [hbm4b:s19+s2], $0x40, $0x38;
	[tilespmem:$0x10080] =	vst v63  }
0x16: {  	_ =	swait.ge [sflag:s8], $0x40  }
0x17: {  	[sflag:s8] =	ssyncset.done $0x0  }
0x18: {  	[sflag:s8] =	ssyncadd.s32 $0xFFFFFFC0  }
0x19: {  	v3 =	vld [tilespmem:$0x0];
	_ =	sdelay $0x4  }
0x1a: {  	v4 =	vshll.u32 v3, $0x3  }
0x1b: {  	v3 =	vand.u32 $0x7, v3;
	v4 =	vand.u32 $0xFFFFFFC0, v4  }
0x1c: {  	v3 =	vor.u32 v3, v4  }
0x1d: {  	v4 =	vperm.xlane v3, v0;
	_ =	sdelay $0x1  }
0x1e: {  	v4 =	vadd.s32 v1, v4;
	_ =	sdelay $0x4  }
0x1f: {  	[tilespmem:s0], [sflag:$0x1] =	stream.indirect_vreg.gather [hbm4b:s3+s2], $0x80, v4, vm0, $0xb8;
	[tilespmem:$0x10080] =	vst v63  }
0x20: {  	v3 =	vperm.xlane v3, v2  }
0x21: {  	[tilespmem:s20], [sflag:$0x1] =	stream.indirect_vreg.gather [hbm4b:s4+s2], $0x80, v4, vm0, $0xb8;
	[tilespmem:$0x10080] =	vst v63  }
0x22: {  	v3 =	vadd.s32 v1, v3  }
0x23: {  	[tilespmem:s21], [sflag:$0x1] =	stream.indirect_vreg.gather [hbm4b:s5+s2], $0x80, v4, vm0, $0xb8;
	[tilespmem:$0x10080] =	vst v63  }
0x24: {  	_ = 	snop  }
0x25: {  	[tilespmem:s22], [sflag:$0x1] =	stream.indirect_vreg.gather [hbm4b:s6+s2], $0x80, v4, vm0, $0xb8;
	[tilespmem:$0x10080] =	vst v63  }
0x26: {  	_ = 	snop  }
0x27: {  	[tilespmem:s23], [sflag:$0x1] =	stream.indirect_vreg.gather [hbm4b:s3+s2], $0x80, v3, vm0, $0xb8;
	[tilespmem:$0x10080] =	vst v63  }
0x28: {  	_ = 	snop  }
0x29: {  	[tilespmem:s24], [sflag:$0x1] =	stream.indirect_vreg.gather [hbm4b:s4+s2], $0x80, v3, vm0, $0xb8;
	[tilespmem:$0x10080] =	vst v63  }
0x2a: {  	_ = 	snop  }
0x2b: {  	[tilespmem:s25], [sflag:$0x1] =	stream.indirect_vreg.gather [hbm4b:s5+s2], $0x80, v3, vm0, $0xb8;
	[tilespmem:$0x10080] =	vst v63  }
0x2c: {  	_ = 	snop  }
0x2d: {  	[tilespmem:s26], [sflag:$0x1] =	stream.indirect_vreg.gather [hbm4b:s6+s2], $0x80, v3, vm0, $0xb8;
	[tilespmem:$0x10080] =	vst v63  }
0x2e: {  	v3 =	vld [tilespmem:$0x10];
	_ =	sdelay $0x4  }
0x2f: {  	v57 =	vshll.u32 v3, $0x3  }
0x30: {  	v3 =	vand.u32 $0x7, v3;
	v4 =	vand.u32 $0xFFFFFFC0, v57  }
0x31: {  	v3 =	vor.u32 v3, v4  }
0x32: {  	v4 =	vperm.xlane v3, v0;
	_ =	sdelay $0x1  }
0x33: {  	v4 =	vadd.s32 v1, v4;
	_ =	sdelay $0x4  }
0x34: {  	[tilespmem:s28], [sflag:$0x1] =	stream.indirect_vreg.gather [hbm4b:s3+s2], $0x80, v4, vm0, $0xb8;
	[tilespmem:$0x10080] =	vst v63  }
0x35: {  	v3 =	vperm.xlane v3, v2  }
0x36: {  	[tilespmem:s29], [sflag:$0x1] =	stream.indirect_vreg.gather [hbm4b:s4+s2], $0x80, v4, vm0, $0xb8;
	[tilespmem:$0x10080] =	vst v63  }
0x37: {  	v3 =	vadd.s32 v1, v3  }
0x38: {  	[tilespmem:s30], [sflag:$0x1] =	stream.indirect_vreg.gather [hbm4b:s5+s2], $0x80, v4, vm0, $0xb8;
	[tilespmem:$0x10080] =	vst v63  }
0x39: {  	_ = 	snop  }
0x3a: {  	[tilespmem:s31], [sflag:$0x1] =	stream.indirect_vreg.gather [hbm4b:s6+s2], $0x80, v4, vm0, $0xb8;
	[tilespmem:$0x10080] =	vst v63  }
0x3b: {  	s1 =	simm.s32 $0x6080  }
0x3c: {  	[tilespmem:s1], [sflag:$0x1] =	stream.indirect_vreg.gather [hbm4b:s3+s2], $0x80, v3, vm0, $0xb8;
	[tilespmem:$0x10080] =	vst v63  }
0x3d: {  	s1 =	simm.s32 $0x6880  }
0x3e: {  	[tilespmem:s1], [sflag:$0x1] =	stream.indirect_vreg.gather [hbm4b:s4+s2], $0x80, v3, vm0, $0xb8;
	[tilespmem:$0x10080] =	vst v63  }
0x3f: {  	_ = 	snop  }
0x40: {  	[tilespmem:s10], [sflag:$0x1] =	stream.indirect_vreg.gather [hbm4b:s5+s2], $0x80, v3, vm0, $0xb8;
	[tilespmem:$0x10080] =	vst v63  }
0x41: {  	_ = 	snop  }
0x42: {  	[tilespmem:s11], [sflag:$0x1] =	stream.indirect_vreg.gather [hbm4b:s6+s2], $0x80, v3, vm0, $0xb8;
	[tilespmem:$0x10080] =	vst v63  }
0x43: {  	v3 =	vld [tilespmem:$0x20];
	_ =	sdelay $0x4  }
0x44: {  	v58 =	vshll.u32 v3, $0x3  }
0x45: {  	v3 =	vand.u32 $0x7, v3;
	v4 =	vand.u32 $0xFFFFFFC0, v58  }
0x46: {  	v3 =	vor.u32 v3, v4  }
0x47: {  	v4 =	vperm.xlane v3, v0;
	_ =	sdelay $0x1  }
0x48: {  	v4 =	vadd.s32 v1, v4;
	_ =	sdelay $0x4  }
0x49: {  	[tilespmem:s12], [sflag:$0x1] =	stream.indirect_vreg.gather [hbm4b:s3+s2], $0x80, v4, vm0, $0xb8;
	[tilespmem:$0x10080] =	vst v63  }
0x4a: {  	v3 =	vperm.xlane v3, v2  }
0x4b: {  	[tilespmem:s13], [sflag:$0x1] =	stream.indirect_vreg.gather [hbm4b:s4+s2], $0x80, v4, vm0, $0xb8;
	[tilespmem:$0x10080] =	vst v63  }
0x4c: {  	v3 =	vadd.s32 v1, v3  }
0x4d: {  	[tilespmem:s14], [sflag:$0x1] =	stream.indirect_vreg.gather [hbm4b:s5+s2], $0x80, v4, vm0, $0xb8;
	[tilespmem:$0x10080] =	vst v63  }
0x4e: {  	_ = 	snop  }
0x4f: {  	[tilespmem:s15], [sflag:$0x1] =	stream.indirect_vreg.gather [hbm4b:s6+s2], $0x80, v4, vm0, $0xb8;
	[tilespmem:$0x10080] =	vst v63  }
0x50: {  	_ = 	snop  }
0x51: {  	[tilespmem:s16], [sflag:$0x1] =	stream.indirect_vreg.gather [hbm4b:s3+s2], $0x80, v3, vm0, $0xb8;
	[tilespmem:$0x10080] =	vst v63  }
0x52: {  	_ = 	snop  }
0x53: {  	[tilespmem:s17], [sflag:$0x1] =	stream.indirect_vreg.gather [hbm4b:s4+s2], $0x80, v3, vm0, $0xb8;
	[tilespmem:$0x10080] =	vst v63  }
0x54: {  	_ = 	snop  }
0x55: {  	[tilespmem:s9], [sflag:$0x1] =	stream.indirect_vreg.gather [hbm4b:s5+s2], $0x80, v3, vm0, $0xb8;
	[tilespmem:$0x10080] =	vst v63  }
0x56: {  	s19 =	simm.s32 $0xB880  }
0x57: {  	[tilespmem:s19], [sflag:$0x1] =	stream.indirect_vreg.gather [hbm4b:s6+s2], $0x80, v3, vm0, $0xb8;
	[tilespmem:$0x10080] =	vst v63  }
0x58: {  	v3 =	vld [tilespmem:$0x30];
	_ =	sdelay $0x4  }
0x59: {  	v59 =	vshll.u32 v3, $0x3  }
0x5a: {  	v3 =	vand.u32 $0x7, v3;
	v4 =	vand.u32 $0xFFFFFFC0, v59  }
0x5b: {  	v3 =	vor.u32 v3, v4  }
0x5c: {  	v4 =	vperm.xlane v3, v0;
	_ =	sdelay $0x1  }
0x5d: {  	v4 =	vadd.s32 v1, v4;
	_ =	sdelay $0x3  }
0x5e: {  	s19 =	simm.s32 $0xC080  }
0x5f: {  	[tilespmem:s19], [sflag:$0x1] =	stream.indirect_vreg.gather [hbm4b:s3+s2], $0x80, v4, vm0, $0xb8;
	[tilespmem:$0x10080] =	vst v63  }
0x60: {  	v3 =	vperm.xlane v3, v2;
	s19 =	simm.s32 $0xC880  }
0x61: {  	[tilespmem:s19], [sflag:$0x1] =	stream.indirect_vreg.gather [hbm4b:s4+s2], $0x80, v4, vm0, $0xb8;
	[tilespmem:$0x10080] =	vst v63  }
0x62: {  	v3 =	vadd.s32 v1, v3;
	s19 =	simm.s32 $0xD080  }
0x63: {  	[tilespmem:s19], [sflag:$0x1] =	stream.indirect_vreg.gather [hbm4b:s5+s2], $0x80, v4, vm0, $0xb8;
	[tilespmem:$0x10080] =	vst v63  }
0x64: {  	s19 =	simm.s32 $0xD880  }
0x65: {  	[tilespmem:s19], [sflag:$0x1] =	stream.indirect_vreg.gather [hbm4b:s6+s2], $0x80, v4, vm0, $0xb8;
	[tilespmem:$0x10080] =	vst v63  }
0x66: {  	s19 =	simm.s32 $0xE080  }
0x67: {  	[tilespmem:s19], [sflag:$0x1] =	stream.indirect_vreg.gather [hbm4b:s3+s2], $0x80, v3, vm0, $0xb8;
	[tilespmem:$0x10080] =	vst v63  }
0x68: {  	s19 =	simm.s32 $0xE880  }
0x69: {  	[tilespmem:s19], [sflag:$0x1] =	stream.indirect_vreg.gather [hbm4b:s4+s2], $0x80, v3, vm0, $0xb8;
	[tilespmem:$0x10080] =	vst v63  }
0x6a: {  	s19 =	simm.s32 $0xF080  }
0x6b: {  	[tilespmem:s19], [sflag:$0x1] =	stream.indirect_vreg.gather [hbm4b:s5+s2], $0x80, v3, vm0, $0xb8;
	[tilespmem:$0x10080] =	vst v63  }
0x6c: {  	s19 =	simm.s32 $0xF880  }
0x6d: {  	[tilespmem:s19], [sflag:$0x1] =	stream.indirect_vreg.gather [hbm4b:s6+s2], $0x80, v3, vm0, $0xb8;
	[tilespmem:$0x10080] =	vst v63  }
0x6e: {  	_ =	swait.ge [sflag:s18], $0x10000  }
0x6f: {  	[sflag:s18] =	ssyncset.done $0x0  }
0x70: {  	s19 =	rddreg [dreg:$0x3];
	[sflag:s18] =	ssyncadd.s32 $0xFFFF0000  }
0x71: {  	[hbm4b:s19+s2] =	stream.linear.scatter [tilespmem:s0], [sflag:$0x2], $0x10000, $0x38;
	[tilespmem:$0x10080] =	vst v63  }
0x72: {  	_ =	swait.ge [sflag:s8], $0x10000  }
0x73: {  	[sflag:s8] =	ssyncset.done $0x0  }
0x74: {  	s19 =	rddreg [dreg:$0x4];
	[sflag:s8] =	ssyncadd.s32 $0xFFFF0000  }
0x75: {  	[tilespmem:s2], [sflag:$0x2] =	stream.linear.gather [hbm4b:s19+s2], $0x40, $0x38;
	[tilespmem:$0x10080] =	vst v63  }
0x76: {  	_ =	swait.ge [sflag:s8], $0x40  }
0x77: {  	[sflag:s8] =	ssyncset.done $0x0  }
0x78: {  	[sflag:s8] =	ssyncadd.s32 $0xFFFFFFC0  }
0x79: {  	v3 =	vld [tilespmem:$0x0];
	_ =	sdelay $0x4  }
0x7a: {  	v60 =	vshll.u32 v3, $0x3  }
0x7b: {  	v3 =	vand.u32 $0x7, v3;
	v4 =	vand.u32 $0xFFFFFFC0, v60  }
0x7c: {  	v3 =	vor.u32 v3, v4  }
0x7d: {  	v4 =	vperm.xlane v3, v0;
	_ =	sdelay $0x1  }
0x7e: {  	v4 =	vadd.s32 v1, v4;
	_ =	sdelay $0x4  }
0x7f: {  	[tilespmem:s0], [sflag:$0x1] =	stream.indirect_vreg.gather [hbm4b:s3+s2], $0x80, v4, vm0, $0xb8;
	[tilespmem:$0x10080] =	vst v63  }
0x80: {  	v3 =	vperm.xlane v3, v2  }
0x81: {  	[tilespmem:s20], [sflag:$0x1] =	stream.indirect_vreg.gather [hbm4b:s4+s2], $0x80, v4, vm0, $0xb8;
	[tilespmem:$0x10080] =	vst v63  }
0x82: {  	v3 =	vadd.s32 v1, v3  }
0x83: {  	[tilespmem:s21], [sflag:$0x1] =	stream.indirect_vreg.gather [hbm4b:s5+s2], $0x80, v4, vm0, $0xb8;
	[tilespmem:$0x10080] =	vst v63  }
0x84: {  	_ = 	snop  }
0x85: {  	[tilespmem:s22], [sflag:$0x1] =	stream.indirect_vreg.gather [hbm4b:s6+s2], $0x80, v4, vm0, $0xb8;
	[tilespmem:$0x10080] =	vst v63  }
0x86: {  	_ = 	snop  }
0x87: {  	[tilespmem:s23], [sflag:$0x1] =	stream.indirect_vreg.gather [hbm4b:s3+s2], $0x80, v3, vm0, $0xb8;
	[tilespmem:$0x10080] =	vst v63  }
0x88: {  	_ = 	snop  }
0x89: {  	[tilespmem:s24], [sflag:$0x1] =	stream.indirect_vreg.gather [hbm4b:s4+s2], $0x80, v3, vm0, $0xb8;
	[tilespmem:$0x10080] =	vst v63  }
0x8a: {  	_ = 	snop  }
0x8b: {  	[tilespmem:s25], [sflag:$0x1] =	stream.indirect_vreg.gather [hbm4b:s5+s2], $0x80, v3, vm0, $0xb8;
	[tilespmem:$0x10080] =	vst v63  }
0x8c: {  	_ = 	snop  }
0x8d: {  	[tilespmem:s26], [sflag:$0x1] =	stream.indirect_vreg.gather [hbm4b:s6+s2], $0x80, v3, vm0, $0xb8;
	[tilespmem:$0x10080] =	vst v63  }
0x8e: {  	v3 =	vld [tilespmem:$0x10];
	_ =	sdelay $0x4  }
0x8f: {  	v61 =	vshll.u32 v3, $0x3  }
0x90: {  	v3 =	vand.u32 $0x7, v3;
	v4 =	vand.u32 $0xFFFFFFC0, v61  }
0x91: {  	v3 =	vor.u32 v3, v4  }
0x92: {  	v4 =	vperm.xlane v3, v0;
	_ =	sdelay $0x1  }
0x93: {  	v4 =	vadd.s32 v1, v4;
	_ =	sdelay $0x4  }
0x94: {  	[tilespmem:s28], [sflag:$0x1] =	stream.indirect_vreg.gather [hbm4b:s3+s2], $0x80, v4, vm0, $0xb8;
	[tilespmem:$0x10080] =	vst v63  }
0x95: {  	v3 =	vperm.xlane v3, v2  }
0x96: {  	[tilespmem:s29], [sflag:$0x1] =	stream.indirect_vreg.gather [hbm4b:s4+s2], $0x80, v4, vm0, $0xb8;
	[tilespmem:$0x10080] =	vst v63  }
0x97: {  	v3 =	vadd.s32 v1, v3  }
0x98: {  	[tilespmem:s30], [sflag:$0x1] =	stream.indirect_vreg.gather [hbm4b:s5+s2], $0x80, v4, vm0, $0xb8;
	[tilespmem:$0x10080] =	vst v63  }
0x99: {  	_ = 	snop  }
0x9a: {  	[tilespmem:s31], [sflag:$0x1] =	stream.indirect_vreg.gather [hbm4b:s6+s2], $0x80, v4, vm0, $0xb8;
	[tilespmem:$0x10080] =	vst v63  }
0x9b: {  	s19 =	simm.s32 $0x6080  }
0x9c: {  	[tilespmem:s19], [sflag:$0x1] =	stream.indirect_vreg.gather [hbm4b:s3+s2], $0x80, v3, vm0, $0xb8;
	[tilespmem:$0x10080] =	vst v63  }
0x9d: {  	_ = 	snop  }
0x9e: {  	[tilespmem:s1], [sflag:$0x1] =	stream.indirect_vreg.gather [hbm4b:s4+s2], $0x80, v3, vm0, $0xb8;
	[tilespmem:$0x10080] =	vst v63  }
0x9f: {  	_ = 	snop  }
0xa0: {  	[tilespmem:s10], [sflag:$0x1] =	stream.indirect_vreg.gather [hbm4b:s5+s2], $0x80, v3, vm0, $0xb8;
	[tilespmem:$0x10080] =	vst v63  }
0xa1: {  	_ = 	snop  }
0xa2: {  	[tilespmem:s11], [sflag:$0x1] =	stream.indirect_vreg.gather [hbm4b:s6+s2], $0x80, v3, vm0, $0xb8;
	[tilespmem:$0x10080] =	vst v63  }
0xa3: {  	v3 =	vld [tilespmem:$0x20];
	_ =	sdelay $0x4  }
0xa4: {  	v62 =	vshll.u32 v3, $0x3  }
0xa5: {  	v3 =	vand.u32 $0x7, v3;
	v4 =	vand.u32 $0xFFFFFFC0, v62  }
0xa6: {  	v3 =	vor.u32 v3, v4  }
0xa7: {  	v4 =	vperm.xlane v3, v0;
	_ =	sdelay $0x1  }
0xa8: {  	v4 =	vadd.s32 v1, v4;
	_ =	sdelay $0x4  }
0xa9: {  	[tilespmem:s12], [sflag:$0x1] =	stream.indirect_vreg.gather [hbm4b:s3+s2], $0x80, v4, vm0, $0xb8;
	[tilespmem:$0x10080] =	vst v63  }
0xaa: {  	v3 =	vperm.xlane v3, v2  }
0xab: {  	[tilespmem:s13], [sflag:$0x1] =	stream.indirect_vreg.gather [hbm4b:s4+s2], $0x80, v4, vm0, $0xb8;
	[tilespmem:$0x10080] =	vst v63  }
0xac: {  	v3 =	vadd.s32 v1, v3  }
0xad: {  	[tilespmem:s14], [sflag:$0x1] =	stream.indirect_vreg.gather [hbm4b:s5+s2], $0x80, v4, vm0, $0xb8;
	[tilespmem:$0x10080] =	vst v63  }
0xae: {  	_ = 	snop  }
0xaf: {  	[tilespmem:s15], [sflag:$0x1] =	stream.indirect_vreg.gather [hbm4b:s6+s2], $0x80, v4, vm0, $0xb8;
	[tilespmem:$0x10080] =	vst v63  }
0xb0: {  	_ = 	snop  }
0xb1: {  	[tilespmem:s16], [sflag:$0x1] =	stream.indirect_vreg.gather [hbm4b:s3+s2], $0x80, v3, vm0, $0xb8;
	[tilespmem:$0x10080] =	vst v63  }
0xb2: {  	_ = 	snop  }
0xb3: {  	[tilespmem:s17], [sflag:$0x1] =	stream.indirect_vreg.gather [hbm4b:s4+s2], $0x80, v3, vm0, $0xb8;
	[tilespmem:$0x10080] =	vst v63  }
0xb4: {  	_ = 	snop  }
0xb5: {  	[tilespmem:s9], [sflag:$0x1] =	stream.indirect_vreg.gather [hbm4b:s5+s2], $0x80, v3, vm0, $0xb8;
	[tilespmem:$0x10080] =	vst v63  }
0xb6: {  	s19 =	simm.s32 $0xB880  }
0xb7: {  	[tilespmem:s19], [sflag:$0x1] =	stream.indirect_vreg.gather [hbm4b:s6+s2], $0x80, v3, vm0, $0xb8;
	[tilespmem:$0x10080] =	vst v63  }
0xb8: {  	v3 =	vld [tilespmem:$0x30];
	_ =	sdelay $0x4  }
0xb9: {  	v63 =	vshll.u32 v3, $0x3  }
0xba: {  	v3 =	vand.u32 $0x7, v3;
	v4 =	vand.u32 $0xFFFFFFC0, v63  }
0xbb: {  	v3 =	vor.u32 v3, v4  }
0xbc: {  	v4 =	vperm.xlane v3, v0;
	_ =	sdelay $0x1  }
0xbd: {  	v4 =	vadd.s32 v1, v4;
	_ =	sdelay $0x3  }
0xbe: {  	s19 =	simm.s32 $0xC080  }
0xbf: {  	[tilespmem:s19], [sflag:$0x1] =	stream.indirect_vreg.gather [hbm4b:s3+s2], $0x80, v4, vm0, $0xb8;
	[tilespmem:$0x10080] =	vst v63  }
0xc0: {  	v3 =	vperm.xlane v3, v2;
	s19 =	simm.s32 $0xC880  }
0xc1: {  	[tilespmem:s19], [sflag:$0x1] =	stream.indirect_vreg.gather [hbm4b:s4+s2], $0x80, v4, vm0, $0xb8;
	[tilespmem:$0x10080] =	vst v63  }
0xc2: {  	v3 =	vadd.s32 v1, v3;
	s19 =	simm.s32 $0xD080  }
0xc3: {  	[tilespmem:s19], [sflag:$0x1] =	stream.indirect_vreg.gather [hbm4b:s5+s2], $0x80, v4, vm0, $0xb8;
	[tilespmem:$0x10080] =	vst v63  }
0xc4: {  	s19 =	simm.s32 $0xD880  }
0xc5: {  	[tilespmem:s19], [sflag:$0x1] =	stream.indirect_vreg.gather [hbm4b:s6+s2], $0x80, v4, vm0, $0xb8;
	[tilespmem:$0x10080] =	vst v63  }
0xc6: {  	s19 =	simm.s32 $0xE080  }
0xc7: {  	[tilespmem:s19], [sflag:$0x1] =	stream.indirect_vreg.gather [hbm4b:s3+s2], $0x80, v3, vm0, $0xb8;
	[tilespmem:$0x10080] =	vst v63  }
0xc8: {  	s19 =	simm.s32 $0xE880  }
0xc9: {  	[tilespmem:s19], [sflag:$0x1] =	stream.indirect_vreg.gather [hbm4b:s4+s2], $0x80, v3, vm0, $0xb8;
	[tilespmem:$0x10080] =	vst v63  }
0xca: {  	s19 =	simm.s32 $0xF080  }
0xcb: {  	[tilespmem:s19], [sflag:$0x1] =	stream.indirect_vreg.gather [hbm4b:s5+s2], $0x80, v3, vm0, $0xb8;
	[tilespmem:$0x10080] =	vst v63  }
0xcc: {  	s19 =	simm.s32 $0xF880  }
0xcd: {  	[tilespmem:s19], [sflag:$0x1] =	stream.indirect_vreg.gather [hbm4b:s6+s2], $0x80, v3, vm0, $0xb8;
	[tilespmem:$0x10080] =	vst v63  }
0xce: {  	_ =	swait.ge [sflag:s18], $0x10000  }
0xcf: {  	p0 =	sne.s32 s7, $0x1;
	[sflag:s18] =	ssyncset.done $0x0  }
.Ltmp0:
0xd0: {  	s1 =	rddreg [dreg:$0x5];
	[sflag:s18] =	ssyncadd.s32 $0xFFFF0000;
	(pc) =	sbr.rel @p0 .LBB2_1-.Ltmp0, $4  }
0xd1: {  	[hbm4b:s1+s2] =	stream.linear.scatter [tilespmem:s0], [sflag:$0x2], $0x10000, $0x38;
	[tilespmem:$0x10080] =	vst v63  }
0xd2: {  	_ =	swait.ge [sflag:s8], $0x10000  }
0xd3: {  	[sflag:s8] =	ssyncset.done $0x0  }
0xd4: {  	s7 =	sadd.s32 $0xFFFFFFFF, s7;
	[sflag:s8] =	ssyncadd.s32 $0xFFFF0000  }
0xd5: {  	_ =	sfence.sel $0x180000  }
0xd6: {  	[bflag:$0x0] =	sbarrier.arrive $0xFFFF  }
0xd7: {  	_ =	strace $0x90000050  }
0xd8: {  	s0 =	stileid.u32;
	[bflag:$0x2] =	sbarrier.arrive $0xFFFF  }
0xd9: {  	p0 =	sne.s32 s0, $0x0;
	s0 =	rddreg [dreg:$0x1]  }
0xda: {  	s0 =	sadd.s32 @!p0 $0x100000, s0  }
0xdb: {  	[sflag:s0] =	ssyncadd.tile.s32 @!p0 $0x1;
	_ =	shalt  }
.Lfunc_end2:
_tile_overlayer_lowered:
.L_overlay_start_2:
0xdc: {  	(tag) =	ssettag $0x2  }
0xdd: {  	s0 =	rddreg [dreg:$0x0];
	s2 =	stileid.u32  }
0xde: {  	s1 =	rddreg [dreg:$0x1];
	p0 =	sne.s32 s2, $0x0  }
0xdf: {  	s3 =	rddreg [dreg:$0x2];
	[bflag:$0x3] =	sbarrier.arrive $0xFFFF;
	s2 =	simm.s32 @!p0 $0x1C02  }
0xe0: {  	[timem:s3], [sflag:s2] =	dma.local @!p0 [hbm:s0], s1  }
0xe1: {  	s0 =	simm.s32 @!p0 $0x2  }
0xe2: {  	_ =	swait.ge @!p0 [sflag:s0], s1  }
0xe3: {  	s1 =	ssub.s32 @!p0 $0x0, s1;
	[sflag:s0] =	ssyncset.done @!p0 $0x0  }
0xe4: {  	[sflag:s0] =	ssyncadd.s32 @!p0 s1  }
0xe5: {  	[bflag:$0x3] =	sbarrier.arrive $0xFFFF  }
0xe6: {  	_ =	shalt  }

// kernel: kernel.9.cloned.1.call-start
scs
__scs_entry_jumppad:
0x0: {  	(pc) =	sbr.rel $0x88, $3  }
0x1: {  	(tag) =	ssettag $0x0;
	lr =	simm.s32 $0x1  }
0x2: {  	[smem:$0x3F8B] =	sst lr;
	_ =	strace $0xD0000000  }
0x3: {  	_ = 	snop  }
0x4: {  	_ = 	snop  }
0x5: {  	_ = 	snop  }
0x6: {  	_ = 	snop  }
0x7: {  	_ = 	snop  }
__scs_overlays_trampoline_lowered:
0x8: {  	[smem:$0x3F9A] =	sst s0  }
0x9: {  	[smem:$0x3F9B] =	sst s1  }
0xa: {  	[smem:$0x3F9C] =	sst s2  }
0xb: {  	[smem:$0x3F9D] =	sst s3  }
0xc: {  	[smem:$0x3F9E] =	sst s4  }
0xd: {  	[smem:$0x3F9F] =	sst s5  }
0xe: {  	[smem:$0x3FA0] =	sst s6  }
0xf: {  	[smem:$0x3FA1] =	sst s7  }
0x10: {  	[smem:$0x3FA2] =	sst s8  }
0x11: {  	[smem:$0x3FA3] =	sst s9;
	s0 =	simm.s32 @!p0 $0x0  }
0x12: {  	s1 =	sld [smem:$0x3F89];
	s0 =	simm.s32 @p0 $0x1  }
0x13: {  	[smem:$0x3FA4] =	sst s0;
	s0 =	simm.s32 @!p1 $0x0  }
0x14: {  	s2 =	sld [smem:$0x3F88];
	s0 =	simm.s32 @p1 $0x1  }
0x15: {  	[smem:$0x3FA5] =	sst s0;
	s0 =	simm.s32 @!p2 $0x0  }
0x16: {  	s3 =	sld [smem:$0x3FDB];
	s0 =	simm.s32 @p2 $0x1  }
0x17: {  	s4 =	simm.s32 $0x1BF5;
	[smem:$0x3FA7] =	sst s0  }
0x18: {  	s0 =	sld [smem:$0x3F8A];
	_ =	swait.ge [sflag:s4], $0x0  }
0x19: {  	s7 =	sld [smem:$0x3F8B]  }
0x1a: {  	s8 =	sadd.s32 $0xFFFFE003, lr  }
0x1b: {  	s9 =	sadd.s32 $0xFFFFFEF7, lr;
	s5 =	simm.s32 $0xFFFFFFFF;
	p2 =	slt.u32 s8, $0xFFFFF086  }
0x1c: {  	p1 =	slt.u32 s9, $0xF7A;
	s5 =	simm.s32 @!p2 $0x0  }
0x1d: {  	s5 =	simm.s32 @p1 $0x1;
	p0 =	seq.s32 s7, s2  }
0x1e: {  	s7 =	smul.u32 @!p0 $0xF7A, s2;
	p2 =	seq.s32 @!p0 s5, $0x0  }
0x1f: {  	s9 =	smul.u32 $0xF7A, s1;
	s8 =	simm.s32 @!p0 $0x1BF5;
	p2 =	por !p2, p0  }
0x20: {  	[sflag:s8] =	ssyncset.s32 @!p0 $0xFFFFF086;
	s6 =	sadd.s32 @!p0 s3, s7;
	s7 =	simm.s32 @!p0 $0x108  }
0x21: {  	s3 =	sadd.s32 s3, s9;
	s6 =	sadd.s32 @!p0 $0x88, s6;
	s7 =	simm.s32 @p2 $0x1082  }
0x22: {  	[simem:s7], [sflag:s8] =	dma.local @!p0 [hbm:s6], $0xF7A  }
0x23: {  	s9 =	sor.u32 $0xD0000000, s2;
	s6 =	simm.s32 $0x108;
	_ =	swait.ge @!p0 [sflag:s8], $0x0  }
0x24: {  	s3 =	sadd.s32 $0x88, s3;
	s6 =	simm.s32 @!p1 $0x1082;
	[sflag:s4] =	ssyncset.s32 $0xFFFFF086  }
0x25: {  	[simem:s6], [sflag:s4] =	dma.local [hbm:s3], $0xF7A  }
0x26: {  	[smem:$0x3F8B] =	sst s1;
	(tag) =	ssettag s2;
	_ =	strace s9  }
0x27: {  	s1 =	sld [smem:$0x3F9B]  }
0x28: {  	s2 =	sld [smem:$0x3F9C]  }
0x29: {  	s4 =	sld [smem:$0x3F9E]  }
0x2a: {  	p0 =	seq.s32 s5, $0x0;
	s5 =	sld [smem:$0x3F9F]  }
0x2b: {  	s6 =	sld [smem:$0x3FA0]  }
0x2c: {  	s7 =	sld [smem:$0x3FA1]  }
0x2d: {  	s3 =	simm.s32 $0x108;
	s8 =	sld [smem:$0x3FA2]  }
0x2e: {  	s3 =	simm.s32 @!p0 $0x1082;
	s9 =	sld [smem:$0x3FA3]  }
0x2f: {  	lr =	sadd.s32 s0, s3;
	s0 =	sld [smem:$0x3F9A]  }
0x30: {  	s3 =	sld [smem:$0x3F9D]  }
0x31: {  	[smem:$0x3FA6] =	sst s10  }
0x32: {  	s10 =	sld [smem:$0x3FA4];
	_ =	sdelay $0x3  }
0x33: {  	p0 =	seq.s32 s10, $0x1;
	s10 =	sld [smem:$0x3FA6];
	_ =	sdelay $0x3  }
0x34: {  	[smem:$0x3FA6] =	sst s10  }
0x35: {  	s10 =	sld [smem:$0x3FA5];
	_ =	sdelay $0x3  }
0x36: {  	p1 =	seq.s32 s10, $0x1;
	s10 =	sld [smem:$0x3FA6];
	_ =	sdelay $0x3  }
0x37: {  	[smem:$0x3FA6] =	sst s10  }
0x38: {  	s10 =	sld [smem:$0x3FA7]  }
0x39: {  	_ = 	snop;
	(pc) =	sbr.ind lr, $3  }
0x3a: {  	_ = 	snop  }
0x3b: {  	_ = 	snop  }
0x3c: {  	p2 =	seq.s32 s10, $0x1;
	s10 =	sld [smem:$0x3FA6]  }
0x3d: {  	_ =	shalt  }
0x3e: {  	_ =	shalt  }
0x3f: {  	_ =	shalt  }
0x40: {  	_ =	shalt  }
0x41: {  	_ =	shalt  }
0x42: {  	_ =	shalt  }
0x43: {  	_ =	shalt  }
0x44: {  	_ =	shalt  }
0x45: {  	_ =	shalt  }
0x46: {  	_ =	shalt  }
0x47: {  	_ =	shalt  }
0x48: {  	_ =	shalt  }
0x49: {  	_ =	shalt  }
0x4a: {  	_ =	shalt  }
0x4b: {  	_ =	shalt  }
0x4c: {  	_ =	shalt  }
0x4d: {  	_ =	shalt  }
0x4e: {  	_ =	shalt  }
0x4f: {  	_ =	shalt  }
0x50: {  	_ =	shalt  }
0x51: {  	_ =	shalt  }
0x52: {  	_ =	shalt  }
0x53: {  	_ =	shalt  }
0x54: {  	_ =	shalt  }
0x55: {  	_ =	shalt  }
0x56: {  	_ =	shalt  }
0x57: {  	_ =	shalt  }
0x58: {  	_ =	shalt  }
0x59: {  	_ =	shalt  }
0x5a: {  	_ =	shalt  }
0x5b: {  	_ =	shalt  }
0x5c: {  	_ =	shalt  }
0x5d: {  	_ =	shalt  }
0x5e: {  	_ =	shalt  }
0x5f: {  	_ =	shalt  }
0x60: {  	_ =	shalt  }
0x61: {  	_ =	shalt  }
0x62: {  	_ =	shalt  }
0x63: {  	_ =	shalt  }
0x64: {  	_ =	shalt  }
0x65: {  	_ =	shalt  }
0x66: {  	_ =	shalt  }
0x67: {  	_ =	shalt  }
0x68: {  	_ =	shalt  }
0x69: {  	_ =	shalt  }
0x6a: {  	_ =	shalt  }
0x6b: {  	_ =	shalt  }
0x6c: {  	_ =	shalt  }
0x6d: {  	_ =	shalt  }
0x6e: {  	_ =	shalt  }
0x6f: {  	_ =	shalt  }
0x70: {  	_ =	shalt  }
0x71: {  	_ =	shalt  }
0x72: {  	_ =	shalt  }
0x73: {  	_ =	shalt  }
0x74: {  	_ =	shalt  }
0x75: {  	_ =	shalt  }
0x76: {  	_ =	shalt  }
0x77: {  	_ =	shalt  }
0x78: {  	_ =	shalt  }
0x79: {  	_ =	shalt  }
0x7a: {  	_ =	shalt  }
0x7b: {  	_ =	shalt  }
0x7c: {  	_ =	shalt  }
0x7d: {  	_ =	shalt  }
0x7e: {  	_ =	shalt  }
0x7f: {  	_ =	shalt  }
0x80: {  	_ =	shalt  }
0x81: {  	_ =	shalt  }
0x82: {  	_ =	shalt  }
0x83: {  	_ =	shalt  }
0x84: {  	_ =	shalt  }
0x85: {  	_ =	shalt  }
0x86: {  	_ =	shalt  }
0x87: {  	_ =	shalt  }
.Lfunc_end0:
.L_simem_size_0:
called_computation.2_lowered:
.L_overlay_start_0:
0x88: {  	s2 =	sld [smem:$0x3FD9]  }
0x89: {  	s3 =	sld [smem:$0x3FFE];
	_ =	sdelay $0x1  }
0x8a: {  	s1 =	srdreg.scid  }
0x8b: {  	s0 =	sand.u32 $0x1, s1  }
0x8c: {  	s16 =	sshll.u32 s0, $0xA;
	s2 =	sadd.s32 s3, s2  }
0x8d: {  	s2 =	sadd.s32 s2, s16  }
0x8e: {  	[smem:$0x3FB2] =	sst s2  }
0x8f: {  	_ = 	snop  }
0x90: {  	(tm) =	ssettm $0x1  }
0x91: {  	s17 =	sld [smem:$0x3FFB];
	_ =	sdelay $0x3  }
0x92: {  	_ =	strace s17  }
0x93: {  	s2 =	sld [smem:$0x3FFC];
	_ =	sdelay $0x3  }
0x94: {  	_ =	strace s2  }
0x95: {  	s2 =	sld [smem:$0x3FFD];
	_ =	sdelay $0x3  }
0x96: {  	_ =	strace s2  }
0x97: {  	_ =	strace $0x8FFFFFFF  }
0x98: {  	s18 =	sld [smem:$0x3FDB];
	_ =	sdelay $0x1  }
0x99: {  	s19 =	simm.s32 $_scs_section_size  }
0x9a: {  	s4 =	simm.s32 $_size__tile_overlayer_lowered;
	s5 =	simm.s32 $_tile_overlayer_lowered  }
0x9b: {  	s22 =	simm.s32 $0x1BFF;
	s21 =	sshll.u32 s5, $0x1;
	s2 =	sadd.s32 s19, s18  }
0x9c: {  	s6 =	simm.s32 $0x0;
	s20 =	sshll.u32 s4, $0x1;
	s4 =	sadd.s32 s21, s2  }
0x9d: {  	[timem:s6], [sflag:s22] =	dma.local [hbm:s4], s20  }
0x9e: {  	_ =	swait.ge [sflag:s22], s20  }
0x9f: {  	s3 =	ssub.s32 $0x0, s20;
	[sflag:s22] =	ssyncset.done $0x0  }
0xa0: {  	[sflag:s22] =	ssyncadd.s32 s3;
	_ =	sdelay $0x1  }
0xa1: {  	s23 =	simm.s32 $0x1B8B  }
0xa2: {  	_ =	swait.ge [sflag:s23], $0x1  }
0xa3: {  	[sflag:s23] =	ssyncset.done $0x0  }
0xa4: {  	s25 =	simm.s32 $0x1B8E;
	s24 =	sld [smem:$0x3FFE];
	[sflag:s23] =	ssyncadd.s32 $0xFFFFFFFF  }
0xa5: {  	s26 =	simm.s32 $execute0_lowered;
	[smem:$0x3FD2] =	sst s25  }
0xa6: {  	s4 =	sshll.u32 s26, $0x1;
	_ =	strace $0x8000004C;
	[dreg:$0x1] =	wrdreg $0xFFFFFFFF  }
0xa7: {  	s28 =	simm.s32 $_size_execute0_lowered;
	s2 =	sadd.s32 s2, s4;
	[dreg:$0x0] =	wrdreg $0x0  }
0xa8: {  	s4 =	sshll.u32 s28, $0x1;
	[dreg:$0x2] =	wrdreg s2  }
0xa9: {  	[dreg:$0x3] =	wrdreg s4  }
0xaa: {  	[dreg:$0x4] =	wrdreg $0xC0  }
0xab: {  	_ =	task [dreg:s6], $0x5FFFF  }
0xac: {  	[dreg:$0x1] =	wrdreg $0xFFFFFFFF  }
0xad: {  	[dreg:$0x0] =	wrdreg $0x60  }
0xae: {  	[dreg:$0x2] =	wrdreg s24  }
0xaf: {  	[dreg:$0x3] =	wrdreg $0x9  }
0xb0: {  	_ =	task.clear_ibuf [dreg:s6], $0x4FFFF;
	_ =	strace $0x9000004C  }
0xb1: {  	s29 =	simm.s32 $0x9;
	_ =	strace $0x8000004E  }
0xb2: {  	_ =	swait.ge [sflag:s29], $0x1  }
0xb3: {  	[sflag:s29] =	ssyncadd.s32 $0xFFFFFFFF  }
0xb4: {  	_ =	strace $0x9000004E  }
0xb5: {  	_ =	sfence  }
0xb6: {  	s30 =	sld [smem:$0x0];
	_ =	sdelay $0x2  }
0xb7: {  	s31 =	sshll.u32 s1, $0xD;
	s1 =	sshrl.u32 s1, $0x2  }
0xb8: {  	s3 =	sand.u32 $0x4000, s31;
	s1 =	sadd.s32 s1, s30  }
0xb9: {  	s0 =	sor.u32 s3, s0;
	s1 =	sshll.u32 s1, $0x11  }
0xba: {  	s0 =	sor.u32 s1, s0  }
0xbb: {  	s0 =	sadd.s32 $0x8F2B, s0  }
0xbc: {  	[sflag:s0] =	ssyncadd.remote.s32 $0x1  }
0xbd: {  	_ =	sfence.sel $0xFFFF  }
0xbe: {  	[dreg:$0x0] =	wrdreg $0xFFFFFFFF;
	(pc) =	sbr.abs _section_cstart, $3  }
0xbf: {  	[dreg:$0x1] =	wrdreg $0xFFFFFFFF  }
0xc0: {  	_ =	task.clear_ibuf [dreg:s6], $0x2FFFF;
	_ =	strace $0x9FFFFFFF  }
0xc1: {  	(tm) =	ssettm $0x7FFFFFFF  }
tec
execute0_lowered:
.L_overlay_start_1:
0x0: {  	(tag) =	ssettag $0x1  }
0x1: {  	s2 =	rddreg [dreg:$0x0]  }
0x2: {  	s0 =	srdreg.scid;
	s1 =	stileid.u32;
	s3 =	simm.s32 $0x0  }
0x3: {  	s11 =	simm.s32 $0x1;
	s13 =	simm.s32 $0x880;
	s14 =	simm.s32 $0x1080  }
0x4: {  	s15 =	simm.s32 $0x1880;
	s16 =	simm.s32 $0x2080;
	s17 =	simm.s32 $0x2880  }
0x5: {  	s18 =	simm.s32 $0x3080;
	s19 =	simm.s32 $0x3880;
	s20 =	simm.s32 $0x4080  }
0x6: {  	s21 =	simm.s32 $0x4880;
	s28 =	simm.s32 $0x7880;
	s29 =	simm.s32 $0x8080  }
0x7: {  	s30 =	simm.s32 $0x8880;
	s31 =	simm.s32 $0x9080;
	s10 =	simm.s32 $0xA880  }
0x8: {  	s9 =	simm.s32 $0xB080;
	s0 =	sand.u32 $0x1, s0;
	s1 =	sshll.u32 s1, $0x1  }
0x9: {  	[smem:$0x7FF] =	sst s3;
	s5 =	sadd.s32 $0x40000, s2;
	s1 =	sor.u32 s0, s1  }
0xa: {  	s6 =	sadd.s32 $0x40400, s2;
	s0 =	ssub.s32 $0x2, s0;
	s4 =	smul.u32 $0xC0, s1  }
0xb: {  	_ =	strace $0x8000004D;
	s7 =	sshrl.u32 s0, $0x1;
	s1 =	smul.u32 $0x6000, s1  }
0xc: {  	s0 =	ssub.s32 s0, s7;
	s8 =	sshrl.u32 s4, $0x3;
	s4 =	sadd.s32 $0x60, s4  }
0xd: {  	s1 =	sadd.s32 s6, s1;
	s7 =	smax.u32 s0, $0x1;
	s22 =	sadd.s32 s5, s8  }
0xe: {  	s23 =	sshrl.u32 s4, $0x3;
	[dreg:$0x3] =	wrdreg s1;
	s25 =	sshll.u32 s4, $0x7  }
0xf: {  	s4 =	sadd.s32 $0x100, s2;
	s8 =	simm.s32 $0x2;
	s1 =	simm.s32 $0xA080  }
0x10: {  	[dreg:$0x2] =	wrdreg s22;
	s24 =	sadd.s32 s5, s23;
	s26 =	sadd.s32 s6, s25  }
0x11: {  	v2 =	vlaneseq.u32;
	s5 =	sadd.s32 $0x200, s2;
	s6 =	sadd.s32 $0x300, s2;
	s22 =	simm.s32 $0x5080  }
0x12: {  	vm0 =	vmmov $0xffff;
	v1 =	vshrl.u32 v2, $0x3;
	s23 =	simm.s32 $0x5880;
	s25 =	simm.s32 $0x6880;
	[dreg:$0x4] =	wrdreg s24  }
0x13: {  	v0 =	vand.u32 $0x7, v2;
	v2 =	vor.u32 $0x8, v2;
	v1 =	vmul.u32 $0x8, v1;
	[dreg:$0x5] =	wrdreg s26;
	s24 =	simm.s32 $0x6080;
	s26 =	simm.s32 $0x7080  }
.LBB2_1:
0x14: {  	s12 =	rddreg [dreg:$0x2]  }
0x15: {  	[tilespmem:s3], [sflag:$0x2] =	stream.linear.gather [hbm4b:s12+s3], $0x60, $0x38;
	[tilespmem:$0x18080] =	vst v63  }
0x16: {  	_ =	swait.ge [sflag:s8], $0x60  }
0x17: {  	[sflag:s8] =	ssyncset.done $0x0  }
0x18: {  	[sflag:s8] =	ssyncadd.s32 $0xFFFFFFA0  }
0x19: {  	v3 =	vld [tilespmem:$0x0];
	_ =	sdelay $0x4  }
0x1a: {  	v4 =	vshll.u32 v3, $0x3  }
0x1b: {  	v3 =	vand.u32 $0x7, v3;
	v4 =	vand.u32 $0xFFFFFFC0, v4  }
0x1c: {  	v3 =	vor.u32 v3, v4  }
0x1d: {  	v4 =	vperm.xlane v3, v0;
	_ =	sdelay $0x1  }
0x1e: {  	v4 =	vadd.s32 v1, v4;
	_ =	sdelay $0x3  }
0x1f: {  	s0 =	simm.s32 $0x80  }
0x20: {  	[tilespmem:s0], [sflag:$0x1] =	stream.indirect_vreg.gather [hbm4b:s2+s3], $0x80, v4, vm0, $0xb8;
	[tilespmem:$0x18080] =	vst v63  }
0x21: {  	v3 =	vperm.xlane v3, v2  }
0x22: {  	[tilespmem:s13], [sflag:$0x1] =	stream.indirect_vreg.gather [hbm4b:s4+s3], $0x80, v4, vm0, $0xb8;
	[tilespmem:$0x18080] =	vst v63  }
0x23: {  	v3 =	vadd.s32 v1, v3  }
0x24: {  	[tilespmem:s14], [sflag:$0x1] =	stream.indirect_vreg.gather [hbm4b:s5+s3], $0x80, v4, vm0, $0xb8;
	[tilespmem:$0x18080] =	vst v63  }
0x25: {  	_ = 	snop  }
0x26: {  	[tilespmem:s15], [sflag:$0x1] =	stream.indirect_vreg.gather [hbm4b:s6+s3], $0x80, v4, vm0, $0xb8;
	[tilespmem:$0x18080] =	vst v63  }
0x27: {  	_ = 	snop  }
0x28: {  	[tilespmem:s16], [sflag:$0x1] =	stream.indirect_vreg.gather [hbm4b:s2+s3], $0x80, v3, vm0, $0xb8;
	[tilespmem:$0x18080] =	vst v63  }
0x29: {  	_ = 	snop  }
0x2a: {  	[tilespmem:s17], [sflag:$0x1] =	stream.indirect_vreg.gather [hbm4b:s4+s3], $0x80, v3, vm0, $0xb8;
	[tilespmem:$0x18080] =	vst v63  }
0x2b: {  	_ = 	snop  }
0x2c: {  	[tilespmem:s18], [sflag:$0x1] =	stream.indirect_vreg.gather [hbm4b:s5+s3], $0x80, v3, vm0, $0xb8;
	[tilespmem:$0x18080] =	vst v63  }
0x2d: {  	_ = 	snop  }
0x2e: {  	[tilespmem:s19], [sflag:$0x1] =	stream.indirect_vreg.gather [hbm4b:s6+s3], $0x80, v3, vm0, $0xb8;
	[tilespmem:$0x18080] =	vst v63  }
0x2f: {  	v3 =	vld [tilespmem:$0x10];
	_ =	sdelay $0x4  }
0x30: {  	v53 =	vshll.u32 v3, $0x3  }
0x31: {  	v3 =	vand.u32 $0x7, v3;
	v4 =	vand.u32 $0xFFFFFFC0, v53  }
0x32: {  	v3 =	vor.u32 v3, v4  }
0x33: {  	v4 =	vperm.xlane v3, v0;
	_ =	sdelay $0x1  }
0x34: {  	v4 =	vadd.s32 v1, v4;
	_ =	sdelay $0x4  }
0x35: {  	[tilespmem:s20], [sflag:$0x1] =	stream.indirect_vreg.gather [hbm4b:s2+s3], $0x80, v4, vm0, $0xb8;
	[tilespmem:$0x18080] =	vst v63  }
0x36: {  	v3 =	vperm.xlane v3, v2  }
0x37: {  	[tilespmem:s21], [sflag:$0x1] =	stream.indirect_vreg.gather [hbm4b:s4+s3], $0x80, v4, vm0, $0xb8;
	[tilespmem:$0x18080] =	vst v63  }
0x38: {  	v3 =	vadd.s32 v1, v3  }
0x39: {  	[tilespmem:s22], [sflag:$0x1] =	stream.indirect_vreg.gather [hbm4b:s5+s3], $0x80, v4, vm0, $0xb8;
	[tilespmem:$0x18080] =	vst v63  }
0x3a: {  	_ = 	snop  }
0x3b: {  	[tilespmem:s23], [sflag:$0x1] =	stream.indirect_vreg.gather [hbm4b:s6+s3], $0x80, v4, vm0, $0xb8;
	[tilespmem:$0x18080] =	vst v63  }
0x3c: {  	_ = 	snop  }
0x3d: {  	[tilespmem:s24], [sflag:$0x1] =	stream.indirect_vreg.gather [hbm4b:s2+s3], $0x80, v3, vm0, $0xb8;
	[tilespmem:$0x18080] =	vst v63  }
0x3e: {  	_ = 	snop  }
0x3f: {  	[tilespmem:s25], [sflag:$0x1] =	stream.indirect_vreg.gather [hbm4b:s4+s3], $0x80, v3, vm0, $0xb8;
	[tilespmem:$0x18080] =	vst v63  }
0x40: {  	_ = 	snop  }
0x41: {  	[tilespmem:s26], [sflag:$0x1] =	stream.indirect_vreg.gather [hbm4b:s5+s3], $0x80, v3, vm0, $0xb8;
	[tilespmem:$0x18080] =	vst v63  }
0x42: {  	_ = 	snop  }
0x43: {  	[tilespmem:s28], [sflag:$0x1] =	stream.indirect_vreg.gather [hbm4b:s6+s3], $0x80, v3, vm0, $0xb8;
	[tilespmem:$0x18080] =	vst v63  }
0x44: {  	v3 =	vld [tilespmem:$0x20];
	_ =	sdelay $0x4  }
0x45: {  	v54 =	vshll.u32 v3, $0x3  }
0x46: {  	v3 =	vand.u32 $0x7, v3;
	v4 =	vand.u32 $0xFFFFFFC0, v54  }
0x47: {  	v3 =	vor.u32 v3, v4  }
0x48: {  	v4 =	vperm.xlane v3, v0;
	_ =	sdelay $0x1  }
0x49: {  	v4 =	vadd.s32 v1, v4;
	_ =	sdelay $0x4  }
0x4a: {  	[tilespmem:s29], [sflag:$0x1] =	stream.indirect_vreg.gather [hbm4b:s2+s3], $0x80, v4, vm0, $0xb8;
	[tilespmem:$0x18080] =	vst v63  }
0x4b: {  	v3 =	vperm.xlane v3, v2  }
0x4c: {  	[tilespmem:s30], [sflag:$0x1] =	stream.indirect_vreg.gather [hbm4b:s4+s3], $0x80, v4, vm0, $0xb8;
	[tilespmem:$0x18080] =	vst v63  }
0x4d: {  	v3 =	vadd.s32 v1, v3  }
0x4e: {  	[tilespmem:s31], [sflag:$0x1] =	stream.indirect_vreg.gather [hbm4b:s5+s3], $0x80, v4, vm0, $0xb8;
	[tilespmem:$0x18080] =	vst v63  }
0x4f: {  	s12 =	simm.s32 $0x9880  }
0x50: {  	[tilespmem:s12], [sflag:$0x1] =	stream.indirect_vreg.gather [hbm4b:s6+s3], $0x80, v4, vm0, $0xb8;
	[tilespmem:$0x18080] =	vst v63  }
0x51: {  	_ = 	snop  }
0x52: {  	[tilespmem:s1], [sflag:$0x1] =	stream.indirect_vreg.gather [hbm4b:s2+s3], $0x80, v3, vm0, $0xb8;
	[tilespmem:$0x18080] =	vst v63  }
0x53: {  	_ = 	snop  }
0x54: {  	[tilespmem:s10], [sflag:$0x1] =	stream.indirect_vreg.gather [hbm4b:s4+s3], $0x80, v3, vm0, $0xb8;
	[tilespmem:$0x18080] =	vst v63  }
0x55: {  	_ = 	snop  }
0x56: {  	[tilespmem:s9], [sflag:$0x1] =	stream.indirect_vreg.gather [hbm4b:s5+s3], $0x80, v3, vm0, $0xb8;
	[tilespmem:$0x18080] =	vst v63  }
0x57: {  	s12 =	simm.s32 $0xB880  }
0x58: {  	[tilespmem:s12], [sflag:$0x1] =	stream.indirect_vreg.gather [hbm4b:s6+s3], $0x80, v3, vm0, $0xb8;
	[tilespmem:$0x18080] =	vst v63  }
0x59: {  	v3 =	vld [tilespmem:$0x30];
	_ =	sdelay $0x4  }
0x5a: {  	v55 =	vshll.u32 v3, $0x3  }
0x5b: {  	v3 =	vand.u32 $0x7, v3;
	v4 =	vand.u32 $0xFFFFFFC0, v55  }
0x5c: {  	v3 =	vor.u32 v3, v4  }
0x5d: {  	v4 =	vperm.xlane v3, v0;
	_ =	sdelay $0x1  }
0x5e: {  	v4 =	vadd.s32 v1, v4;
	_ =	sdelay $0x3  }
0x5f: {  	s12 =	simm.s32 $0xC080  }
0x60: {  	[tilespmem:s12], [sflag:$0x1] =	stream.indirect_vreg.gather [hbm4b:s2+s3], $0x80, v4, vm0, $0xb8;
	[tilespmem:$0x18080] =	vst v63  }
0x61: {  	v3 =	vperm.xlane v3, v2;
	s12 =	simm.s32 $0xC880  }
0x62: {  	[tilespmem:s12], [sflag:$0x1] =	stream.indirect_vreg.gather [hbm4b:s4+s3], $0x80, v4, vm0, $0xb8;
	[tilespmem:$0x18080] =	vst v63  }
0x63: {  	v3 =	vadd.s32 v1, v3;
	s12 =	simm.s32 $0xD080  }
0x64: {  	[tilespmem:s12], [sflag:$0x1] =	stream.indirect_vreg.gather [hbm4b:s5+s3], $0x80, v4, vm0, $0xb8;
	[tilespmem:$0x18080] =	vst v63  }
0x65: {  	s12 =	simm.s32 $0xD880  }
0x66: {  	[tilespmem:s12], [sflag:$0x1] =	stream.indirect_vreg.gather [hbm4b:s6+s3], $0x80, v4, vm0, $0xb8;
	[tilespmem:$0x18080] =	vst v63  }
0x67: {  	s12 =	simm.s32 $0xE080  }
0x68: {  	[tilespmem:s12], [sflag:$0x1] =	stream.indirect_vreg.gather [hbm4b:s2+s3], $0x80, v3, vm0, $0xb8;
	[tilespmem:$0x18080] =	vst v63  }
0x69: {  	s12 =	simm.s32 $0xE880  }
0x6a: {  	[tilespmem:s12], [sflag:$0x1] =	stream.indirect_vreg.gather [hbm4b:s4+s3], $0x80, v3, vm0, $0xb8;
	[tilespmem:$0x18080] =	vst v63  }
0x6b: {  	s12 =	simm.s32 $0xF080  }
0x6c: {  	[tilespmem:s12], [sflag:$0x1] =	stream.indirect_vreg.gather [hbm4b:s5+s3], $0x80, v3, vm0, $0xb8;
	[tilespmem:$0x18080] =	vst v63  }
0x6d: {  	s12 =	simm.s32 $0xF880  }
0x6e: {  	[tilespmem:s12], [sflag:$0x1] =	stream.indirect_vreg.gather [hbm4b:s6+s3], $0x80, v3, vm0, $0xb8;
	[tilespmem:$0x18080] =	vst v63  }
0x6f: {  	v3 =	vld [tilespmem:$0x40];
	_ =	sdelay $0x4  }
0x70: {  	v56 =	vshll.u32 v3, $0x3  }
0x71: {  	v3 =	vand.u32 $0x7, v3;
	v4 =	vand.u32 $0xFFFFFFC0, v56  }
0x72: {  	v3 =	vor.u32 v3, v4  }
0x73: {  	v4 =	vperm.xlane v3, v0;
	_ =	sdelay $0x1  }
0x74: {  	v4 =	vadd.s32 v1, v4;
	_ =	sdelay $0x3  }
0x75: {  	s12 =	simm.s32 $0x10080  }
0x76: {  	[tilespmem:s12], [sflag:$0x1] =	stream.indirect_vreg.gather [hbm4b:s2+s3], $0x80, v4, vm0, $0xb8;
	[tilespmem:$0x18080] =	vst v63  }
0x77: {  	v3 =	vperm.xlane v3, v2;
	s12 =	simm.s32 $0x10880  }
0x78: {  	[tilespmem:s12], [sflag:$0x1] =	stream.indirect_vreg.gather [hbm4b:s4+s3], $0x80, v4, vm0, $0xb8;
	[tilespmem:$0x18080] =	vst v63  }
0x79: {  	v3 =	vadd.s32 v1, v3;
	s12 =	simm.s32 $0x11080  }
0x7a: {  	[tilespmem:s12], [sflag:$0x1] =	stream.indirect_vreg.gather [hbm4b:s5+s3], $0x80, v4, vm0, $0xb8;
	[tilespmem:$0x18080] =	vst v63  }
0x7b: {  	s12 =	simm.s32 $0x11880  }
0x7c: {  	[tilespmem:s12], [sflag:$0x1] =	stream.indirect_vreg.gather [hbm4b:s6+s3], $0x80, v4, vm0, $0xb8;
	[tilespmem:$0x18080] =	vst v63  }
0x7d: {  	s12 =	simm.s32 $0x12080  }
0x7e: {  	[tilespmem:s12], [sflag:$0x1] =	stream.indirect_vreg.gather [hbm4b:s2+s3], $0x80, v3, vm0, $0xb8;
	[tilespmem:$0x18080] =	vst v63  }
0x7f: {  	s12 =	simm.s32 $0x12880  }
0x80: {  	[tilespmem:s12], [sflag:$0x1] =	stream.indirect_vreg.gather [hbm4b:s4+s3], $0x80, v3, vm0, $0xb8;
	[tilespmem:$0x18080] =	vst v63  }
0x81: {  	s12 =	simm.s32 $0x13080  }
0x82: {  	[tilespmem:s12], [sflag:$0x1] =	stream.indirect_vreg.gather [hbm4b:s5+s3], $0x80, v3, vm0, $0xb8;
	[tilespmem:$0x18080] =	vst v63  }
0x83: {  	s12 =	simm.s32 $0x13880  }
0x84: {  	[tilespmem:s12], [sflag:$0x1] =	stream.indirect_vreg.gather [hbm4b:s6+s3], $0x80, v3, vm0, $0xb8;
	[tilespmem:$0x18080] =	vst v63  }
0x85: {  	v3 =	vld [tilespmem:$0x50];
	_ =	sdelay $0x4  }
0x86: {  	v57 =	vshll.u32 v3, $0x3  }
0x87: {  	v3 =	vand.u32 $0x7, v3;
	v4 =	vand.u32 $0xFFFFFFC0, v57  }
0x88: {  	v3 =	vor.u32 v3, v4  }
0x89: {  	v4 =	vperm.xlane v3, v0;
	_ =	sdelay $0x1  }
0x8a: {  	v4 =	vadd.s32 v1, v4;
	_ =	sdelay $0x3  }
0x8b: {  	s12 =	simm.s32 $0x14080  }
0x8c: {  	[tilespmem:s12], [sflag:$0x1] =	stream.indirect_vreg.gather [hbm4b:s2+s3], $0x80, v4, vm0, $0xb8;
	[tilespmem:$0x18080] =	vst v63  }
0x8d: {  	v3 =	vperm.xlane v3, v2;
	s12 =	simm.s32 $0x14880  }
0x8e: {  	[tilespmem:s12], [sflag:$0x1] =	stream.indirect_vreg.gather [hbm4b:s4+s3], $0x80, v4, vm0, $0xb8;
	[tilespmem:$0x18080] =	vst v63  }
0x8f: {  	v3 =	vadd.s32 v1, v3;
	s12 =	simm.s32 $0x15080  }
0x90: {  	[tilespmem:s12], [sflag:$0x1] =	stream.indirect_vreg.gather [hbm4b:s5+s3], $0x80, v4, vm0, $0xb8;
	[tilespmem:$0x18080] =	vst v63  }
0x91: {  	s12 =	simm.s32 $0x15880  }
0x92: {  	[tilespmem:s12], [sflag:$0x1] =	stream.indirect_vreg.gather [hbm4b:s6+s3], $0x80, v4, vm0, $0xb8;
	[tilespmem:$0x18080] =	vst v63  }
0x93: {  	s12 =	simm.s32 $0x16080  }
0x94: {  	[tilespmem:s12], [sflag:$0x1] =	stream.indirect_vreg.gather [hbm4b:s2+s3], $0x80, v3, vm0, $0xb8;
	[tilespmem:$0x18080] =	vst v63  }
0x95: {  	s12 =	simm.s32 $0x16880  }
0x96: {  	[tilespmem:s12], [sflag:$0x1] =	stream.indirect_vreg.gather [hbm4b:s4+s3], $0x80, v3, vm0, $0xb8;
	[tilespmem:$0x18080] =	vst v63  }
0x97: {  	s12 =	simm.s32 $0x17080  }
0x98: {  	[tilespmem:s12], [sflag:$0x1] =	stream.indirect_vreg.gather [hbm4b:s5+s3], $0x80, v3, vm0, $0xb8;
	[tilespmem:$0x18080] =	vst v63  }
0x99: {  	s12 =	simm.s32 $0x17880  }
0x9a: {  	[tilespmem:s12], [sflag:$0x1] =	stream.indirect_vreg.gather [hbm4b:s6+s3], $0x80, v3, vm0, $0xb8;
	[tilespmem:$0x18080] =	vst v63  }
0x9b: {  	_ =	swait.ge [sflag:s11], $0x18000  }
0x9c: {  	[sflag:s11] =	ssyncset.done $0x0  }
0x9d: {  	s0 =	simm.s32 $0x80;
	s12 =	rddreg [dreg:$0x3];
	[sflag:s11] =	ssyncadd.s32 $0xFFFE8000  }
0x9e: {  	[hbm4b:s12+s3] =	stream.linear.scatter [tilespmem:s0], [sflag:$0x2], $0x18000, $0x38;
	[tilespmem:$0x18080] =	vst v63  }
0x9f: {  	_ =	swait.ge [sflag:s8], $0x18000  }
0xa0: {  	[sflag:s8] =	ssyncset.done $0x0  }
0xa1: {  	s12 =	rddreg [dreg:$0x4];
	[sflag:s8] =	ssyncadd.s32 $0xFFFE8000  }
0xa2: {  	[tilespmem:s3], [sflag:$0x2] =	stream.linear.gather [hbm4b:s12+s3], $0x60, $0x38;
	[tilespmem:$0x18080] =	vst v63  }
0xa3: {  	_ =	swait.ge [sflag:s8], $0x60  }
0xa4: {  	[sflag:s8] =	ssyncset.done $0x0  }
0xa5: {  	[sflag:s8] =	ssyncadd.s32 $0xFFFFFFA0  }
0xa6: {  	v3 =	vld [tilespmem:$0x0];
	_ =	sdelay $0x4  }
0xa7: {  	v58 =	vshll.u32 v3, $0x3  }
0xa8: {  	v3 =	vand.u32 $0x7, v3;
	v4 =	vand.u32 $0xFFFFFFC0, v58  }
0xa9: {  	v3 =	vor.u32 v3, v4  }
0xaa: {  	v4 =	vperm.xlane v3, v0;
	_ =	sdelay $0x1  }
0xab: {  	v4 =	vadd.s32 v1, v4;
	_ =	sdelay $0x4  }
0xac: {  	[tilespmem:s0], [sflag:$0x1] =	stream.indirect_vreg.gather [hbm4b:s2+s3], $0x80, v4, vm0, $0xb8;
	[tilespmem:$0x18080] =	vst v63  }
0xad: {  	v3 =	vperm.xlane v3, v2  }
0xae: {  	[tilespmem:s13], [sflag:$0x1] =	stream.indirect_vreg.gather [hbm4b:s4+s3], $0x80, v4, vm0, $0xb8;
	[tilespmem:$0x18080] =	vst v63  }
0xaf: {  	v3 =	vadd.s32 v1, v3  }
0xb0: {  	[tilespmem:s14], [sflag:$0x1] =	stream.indirect_vreg.gather [hbm4b:s5+s3], $0x80, v4, vm0, $0xb8;
	[tilespmem:$0x18080] =	vst v63  }
0xb1: {  	_ = 	snop  }
0xb2: {  	[tilespmem:s15], [sflag:$0x1] =	stream.indirect_vreg.gather [hbm4b:s6+s3], $0x80, v4, vm0, $0xb8;
	[tilespmem:$0x18080] =	vst v63  }
0xb3: {  	_ = 	snop  }
0xb4: {  	[tilespmem:s16], [sflag:$0x1] =	stream.indirect_vreg.gather [hbm4b:s2+s3], $0x80, v3, vm0, $0xb8;
	[tilespmem:$0x18080] =	vst v63  }
0xb5: {  	_ = 	snop  }
0xb6: {  	[tilespmem:s17], [sflag:$0x1] =	stream.indirect_vreg.gather [hbm4b:s4+s3], $0x80, v3, vm0, $0xb8;
	[tilespmem:$0x18080] =	vst v63  }
0xb7: {  	_ = 	snop  }
0xb8: {  	[tilespmem:s18], [sflag:$0x1] =	stream.indirect_vreg.gather [hbm4b:s5+s3], $0x80, v3, vm0, $0xb8;
	[tilespmem:$0x18080] =	vst v63  }
0xb9: {  	_ = 	snop  }
0xba: {  	[tilespmem:s19], [sflag:$0x1] =	stream.indirect_vreg.gather [hbm4b:s6+s3], $0x80, v3, vm0, $0xb8;
	[tilespmem:$0x18080] =	vst v63  }
0xbb: {  	v3 =	vld [tilespmem:$0x10];
	_ =	sdelay $0x4  }
0xbc: {  	v59 =	vshll.u32 v3, $0x3  }
0xbd: {  	v3 =	vand.u32 $0x7, v3;
	v4 =	vand.u32 $0xFFFFFFC0, v59  }
0xbe: {  	v3 =	vor.u32 v3, v4  }
0xbf: {  	v4 =	vperm.xlane v3, v0;
	_ =	sdelay $0x1  }
0xc0: {  	v4 =	vadd.s32 v1, v4;
	_ =	sdelay $0x4  }
0xc1: {  	[tilespmem:s20], [sflag:$0x1] =	stream.indirect_vreg.gather [hbm4b:s2+s3], $0x80, v4, vm0, $0xb8;
	[tilespmem:$0x18080] =	vst v63  }
0xc2: {  	v3 =	vperm.xlane v3, v2  }
0xc3: {  	[tilespmem:s21], [sflag:$0x1] =	stream.indirect_vreg.gather [hbm4b:s4+s3], $0x80, v4, vm0, $0xb8;
	[tilespmem:$0x18080] =	vst v63  }
0xc4: {  	v3 =	vadd.s32 v1, v3  }
0xc5: {  	[tilespmem:s22], [sflag:$0x1] =	stream.indirect_vreg.gather [hbm4b:s5+s3], $0x80, v4, vm0, $0xb8;
	[tilespmem:$0x18080] =	vst v63  }
0xc6: {  	_ = 	snop  }
0xc7: {  	[tilespmem:s23], [sflag:$0x1] =	stream.indirect_vreg.gather [hbm4b:s6+s3], $0x80, v4, vm0, $0xb8;
	[tilespmem:$0x18080] =	vst v63  }
0xc8: {  	_ = 	snop  }
0xc9: {  	[tilespmem:s24], [sflag:$0x1] =	stream.indirect_vreg.gather [hbm4b:s2+s3], $0x80, v3, vm0, $0xb8;
	[tilespmem:$0x18080] =	vst v63  }
0xca: {  	_ = 	snop  }
0xcb: {  	[tilespmem:s25], [sflag:$0x1] =	stream.indirect_vreg.gather [hbm4b:s4+s3], $0x80, v3, vm0, $0xb8;
	[tilespmem:$0x18080] =	vst v63  }
0xcc: {  	_ = 	snop  }
0xcd: {  	[tilespmem:s26], [sflag:$0x1] =	stream.indirect_vreg.gather [hbm4b:s5+s3], $0x80, v3, vm0, $0xb8;
	[tilespmem:$0x18080] =	vst v63  }
0xce: {  	_ = 	snop  }
0xcf: {  	[tilespmem:s28], [sflag:$0x1] =	stream.indirect_vreg.gather [hbm4b:s6+s3], $0x80, v3, vm0, $0xb8;
	[tilespmem:$0x18080] =	vst v63  }
0xd0: {  	v3 =	vld [tilespmem:$0x20];
	_ =	sdelay $0x4  }
0xd1: {  	v60 =	vshll.u32 v3, $0x3  }
0xd2: {  	v3 =	vand.u32 $0x7, v3;
	v4 =	vand.u32 $0xFFFFFFC0, v60  }
0xd3: {  	v3 =	vor.u32 v3, v4  }
0xd4: {  	v4 =	vperm.xlane v3, v0;
	_ =	sdelay $0x1  }
0xd5: {  	v4 =	vadd.s32 v1, v4;
	_ =	sdelay $0x4  }
0xd6: {  	[tilespmem:s29], [sflag:$0x1] =	stream.indirect_vreg.gather [hbm4b:s2+s3], $0x80, v4, vm0, $0xb8;
	[tilespmem:$0x18080] =	vst v63  }
0xd7: {  	v3 =	vperm.xlane v3, v2  }
0xd8: {  	[tilespmem:s30], [sflag:$0x1] =	stream.indirect_vreg.gather [hbm4b:s4+s3], $0x80, v4, vm0, $0xb8;
	[tilespmem:$0x18080] =	vst v63  }
0xd9: {  	v3 =	vadd.s32 v1, v3  }
0xda: {  	[tilespmem:s31], [sflag:$0x1] =	stream.indirect_vreg.gather [hbm4b:s5+s3], $0x80, v4, vm0, $0xb8;
	[tilespmem:$0x18080] =	vst v63  }
0xdb: {  	s12 =	simm.s32 $0x9880  }
0xdc: {  	[tilespmem:s12], [sflag:$0x1] =	stream.indirect_vreg.gather [hbm4b:s6+s3], $0x80, v4, vm0, $0xb8;
	[tilespmem:$0x18080] =	vst v63  }
0xdd: {  	_ = 	snop  }
0xde: {  	[tilespmem:s1], [sflag:$0x1] =	stream.indirect_vreg.gather [hbm4b:s2+s3], $0x80, v3, vm0, $0xb8;
	[tilespmem:$0x18080] =	vst v63  }
0xdf: {  	_ = 	snop  }
0xe0: {  	[tilespmem:s10], [sflag:$0x1] =	stream.indirect_vreg.gather [hbm4b:s4+s3], $0x80, v3, vm0, $0xb8;
	[tilespmem:$0x18080] =	vst v63  }
0xe1: {  	_ = 	snop  }
0xe2: {  	[tilespmem:s9], [sflag:$0x1] =	stream.indirect_vreg.gather [hbm4b:s5+s3], $0x80, v3, vm0, $0xb8;
	[tilespmem:$0x18080] =	vst v63  }
0xe3: {  	s12 =	simm.s32 $0xB880  }
0xe4: {  	[tilespmem:s12], [sflag:$0x1] =	stream.indirect_vreg.gather [hbm4b:s6+s3], $0x80, v3, vm0, $0xb8;
	[tilespmem:$0x18080] =	vst v63  }
0xe5: {  	v3 =	vld [tilespmem:$0x30];
	_ =	sdelay $0x4  }
0xe6: {  	v61 =	vshll.u32 v3, $0x3  }
0xe7: {  	v3 =	vand.u32 $0x7, v3;
	v4 =	vand.u32 $0xFFFFFFC0, v61  }
0xe8: {  	v3 =	vor.u32 v3, v4  }
0xe9: {  	v4 =	vperm.xlane v3, v0;
	_ =	sdelay $0x1  }
0xea: {  	v4 =	vadd.s32 v1, v4;
	_ =	sdelay $0x3  }
0xeb: {  	s12 =	simm.s32 $0xC080  }
0xec: {  	[tilespmem:s12], [sflag:$0x1] =	stream.indirect_vreg.gather [hbm4b:s2+s3], $0x80, v4, vm0, $0xb8;
	[tilespmem:$0x18080] =	vst v63  }
0xed: {  	v3 =	vperm.xlane v3, v2;
	s12 =	simm.s32 $0xC880  }
0xee: {  	[tilespmem:s12], [sflag:$0x1] =	stream.indirect_vreg.gather [hbm4b:s4+s3], $0x80, v4, vm0, $0xb8;
	[tilespmem:$0x18080] =	vst v63  }
0xef: {  	v3 =	vadd.s32 v1, v3;
	s12 =	simm.s32 $0xD080  }
0xf0: {  	[tilespmem:s12], [sflag:$0x1] =	stream.indirect_vreg.gather [hbm4b:s5+s3], $0x80, v4, vm0, $0xb8;
	[tilespmem:$0x18080] =	vst v63  }
0xf1: {  	s12 =	simm.s32 $0xD880  }
0xf2: {  	[tilespmem:s12], [sflag:$0x1] =	stream.indirect_vreg.gather [hbm4b:s6+s3], $0x80, v4, vm0, $0xb8;
	[tilespmem:$0x18080] =	vst v63  }
0xf3: {  	s12 =	simm.s32 $0xE080  }
0xf4: {  	[tilespmem:s12], [sflag:$0x1] =	stream.indirect_vreg.gather [hbm4b:s2+s3], $0x80, v3, vm0, $0xb8;
	[tilespmem:$0x18080] =	vst v63  }
0xf5: {  	s12 =	simm.s32 $0xE880  }
0xf6: {  	[tilespmem:s12], [sflag:$0x1] =	stream.indirect_vreg.gather [hbm4b:s4+s3], $0x80, v3, vm0, $0xb8;
	[tilespmem:$0x18080] =	vst v63  }
0xf7: {  	s12 =	simm.s32 $0xF080  }
0xf8: {  	[tilespmem:s12], [sflag:$0x1] =	stream.indirect_vreg.gather [hbm4b:s5+s3], $0x80, v3, vm0, $0xb8;
	[tilespmem:$0x18080] =	vst v63  }
0xf9: {  	s12 =	simm.s32 $0xF880  }
0xfa: {  	[tilespmem:s12], [sflag:$0x1] =	stream.indirect_vreg.gather [hbm4b:s6+s3], $0x80, v3, vm0, $0xb8;
	[tilespmem:$0x18080] =	vst v63  }
0xfb: {  	v3 =	vld [tilespmem:$0x40];
	_ =	sdelay $0x4  }
0xfc: {  	v62 =	vshll.u32 v3, $0x3  }
0xfd: {  	v3 =	vand.u32 $0x7, v3;
	v4 =	vand.u32 $0xFFFFFFC0, v62  }
0xfe: {  	v3 =	vor.u32 v3, v4  }
0xff: {  	v4 =	vperm.xlane v3, v0;
	_ =	sdelay $0x1  }
0x100: {  	v4 =	vadd.s32 v1, v4;
	_ =	sdelay $0x3  }
0x101: {  	s12 =	simm.s32 $0x10080  }
0x102: {  	[tilespmem:s12], [sflag:$0x1] =	stream.indirect_vreg.gather [hbm4b:s2+s3], $0x80, v4, vm0, $0xb8;
	[tilespmem:$0x18080] =	vst v63  }
0x103: {  	v3 =	vperm.xlane v3, v2;
	s12 =	simm.s32 $0x10880  }
0x104: {  	[tilespmem:s12], [sflag:$0x1] =	stream.indirect_vreg.gather [hbm4b:s4+s3], $0x80, v4, vm0, $0xb8;
	[tilespmem:$0x18080] =	vst v63  }
0x105: {  	v3 =	vadd.s32 v1, v3;
	s12 =	simm.s32 $0x11080  }
0x106: {  	[tilespmem:s12], [sflag:$0x1] =	stream.indirect_vreg.gather [hbm4b:s5+s3], $0x80, v4, vm0, $0xb8;
	[tilespmem:$0x18080] =	vst v63  }
0x107: {  	s12 =	simm.s32 $0x11880  }
0x108: {  	[tilespmem:s12], [sflag:$0x1] =	stream.indirect_vreg.gather [hbm4b:s6+s3], $0x80, v4, vm0, $0xb8;
	[tilespmem:$0x18080] =	vst v63  }
0x109: {  	s12 =	simm.s32 $0x12080  }
0x10a: {  	[tilespmem:s12], [sflag:$0x1] =	stream.indirect_vreg.gather [hbm4b:s2+s3], $0x80, v3, vm0, $0xb8;
	[tilespmem:$0x18080] =	vst v63  }
0x10b: {  	s12 =	simm.s32 $0x12880  }
0x10c: {  	[tilespmem:s12], [sflag:$0x1] =	stream.indirect_vreg.gather [hbm4b:s4+s3], $0x80, v3, vm0, $0xb8;
	[tilespmem:$0x18080] =	vst v63  }
0x10d: {  	s12 =	simm.s32 $0x13080  }
0x10e: {  	[tilespmem:s12], [sflag:$0x1] =	stream.indirect_vreg.gather [hbm4b:s5+s3], $0x80, v3, vm0, $0xb8;
	[tilespmem:$0x18080] =	vst v63  }
0x10f: {  	s12 =	simm.s32 $0x13880  }
0x110: {  	[tilespmem:s12], [sflag:$0x1] =	stream.indirect_vreg.gather [hbm4b:s6+s3], $0x80, v3, vm0, $0xb8;
	[tilespmem:$0x18080] =	vst v63  }
0x111: {  	v3 =	vld [tilespmem:$0x50];
	_ =	sdelay $0x4  }
0x112: {  	v63 =	vshll.u32 v3, $0x3  }
0x113: {  	v3 =	vand.u32 $0x7, v3;
	v4 =	vand.u32 $0xFFFFFFC0, v63  }
0x114: {  	v3 =	vor.u32 v3, v4  }
0x115: {  	v4 =	vperm.xlane v3, v0;
	_ =	sdelay $0x1  }
0x116: {  	v4 =	vadd.s32 v1, v4;
	_ =	sdelay $0x3  }
0x117: {  	s12 =	simm.s32 $0x14080  }
0x118: {  	[tilespmem:s12], [sflag:$0x1] =	stream.indirect_vreg.gather [hbm4b:s2+s3], $0x80, v4, vm0, $0xb8;
	[tilespmem:$0x18080] =	vst v63  }
0x119: {  	v3 =	vperm.xlane v3, v2;
	s12 =	simm.s32 $0x14880  }
0x11a: {  	[tilespmem:s12], [sflag:$0x1] =	stream.indirect_vreg.gather [hbm4b:s4+s3], $0x80, v4, vm0, $0xb8;
	[tilespmem:$0x18080] =	vst v63  }
0x11b: {  	v3 =	vadd.s32 v1, v3;
	s12 =	simm.s32 $0x15080  }
0x11c: {  	[tilespmem:s12], [sflag:$0x1] =	stream.indirect_vreg.gather [hbm4b:s5+s3], $0x80, v4, vm0, $0xb8;
	[tilespmem:$0x18080] =	vst v63  }
0x11d: {  	s12 =	simm.s32 $0x15880  }
0x11e: {  	[tilespmem:s12], [sflag:$0x1] =	stream.indirect_vreg.gather [hbm4b:s6+s3], $0x80, v4, vm0, $0xb8;
	[tilespmem:$0x18080] =	vst v63  }
0x11f: {  	s12 =	simm.s32 $0x16080  }
0x120: {  	[tilespmem:s12], [sflag:$0x1] =	stream.indirect_vreg.gather [hbm4b:s2+s3], $0x80, v3, vm0, $0xb8;
	[tilespmem:$0x18080] =	vst v63  }
0x121: {  	s12 =	simm.s32 $0x16880  }
0x122: {  	[tilespmem:s12], [sflag:$0x1] =	stream.indirect_vreg.gather [hbm4b:s4+s3], $0x80, v3, vm0, $0xb8;
	[tilespmem:$0x18080] =	vst v63  }
0x123: {  	s12 =	simm.s32 $0x17080  }
0x124: {  	[tilespmem:s12], [sflag:$0x1] =	stream.indirect_vreg.gather [hbm4b:s5+s3], $0x80, v3, vm0, $0xb8;
	[tilespmem:$0x18080] =	vst v63  }
0x125: {  	s12 =	simm.s32 $0x17880  }
0x126: {  	[tilespmem:s12], [sflag:$0x1] =	stream.indirect_vreg.gather [hbm4b:s6+s3], $0x80, v3, vm0, $0xb8;
	[tilespmem:$0x18080] =	vst v63  }
0x127: {  	_ =	swait.ge [sflag:s11], $0x18000  }
0x128: {  	p0 =	sne.s32 s7, $0x1;
	s0 =	simm.s32 $0x80;
	[sflag:s11] =	ssyncset.done $0x0  }
.Ltmp0:
0x129: {  	s12 =	rddreg [dreg:$0x5];
	[sflag:s11] =	ssyncadd.s32 $0xFFFE8000;
	(pc) =	sbr.rel @p0 .LBB2_1-.Ltmp0, $4  }
0x12a: {  	[hbm4b:s12+s3] =	stream.linear.scatter [tilespmem:s0], [sflag:$0x2], $0x18000, $0x38;
	[tilespmem:$0x18080] =	vst v63  }
0x12b: {  	_ =	swait.ge [sflag:s8], $0x18000  }
0x12c: {  	[sflag:s8] =	ssyncset.done $0x0  }
0x12d: {  	s7 =	sadd.s32 $0xFFFFFFFF, s7;
	[sflag:s8] =	ssyncadd.s32 $0xFFFE8000  }
0x12e: {  	_ =	sfence.sel $0x180000  }
0x12f: {  	[bflag:$0x0] =	sbarrier.arrive $0xFFFF  }
0x130: {  	_ =	strace $0x9000004D  }
0x131: {  	s0 =	stileid.u32;
	[bflag:$0x2] =	sbarrier.arrive $0xFFFF  }
0x132: {  	p0 =	sne.s32 s0, $0x0;
	s0 =	rddreg [dreg:$0x1]  }
0x133: {  	s0 =	sadd.s32 @!p0 $0x100000, s0  }
0x134: {  	[sflag:s0] =	ssyncadd.tile.s32 @!p0 $0x1;
	_ =	shalt  }
.Lfunc_end2:
_tile_overlayer_lowered:
.L_overlay_start_2:
0x135: {  	(tag) =	ssettag $0x2  }
0x136: {  	s0 =	rddreg [dreg:$0x0];
	s2 =	stileid.u32  }
0x137: {  	s1 =	rddreg [dreg:$0x1];
	p0 =	sne.s32 s2, $0x0  }
0x138: {  	s3 =	rddreg [dreg:$0x2];
	[bflag:$0x3] =	sbarrier.arrive $0xFFFF;
	s2 =	simm.s32 @!p0 $0x1C02  }
0x139: {  	[timem:s3], [sflag:s2] =	dma.local @!p0 [hbm:s0], s1  }
0x13a: {  	s0 =	simm.s32 @!p0 $0x2  }
0x13b: {  	_ =	swait.ge @!p0 [sflag:s0], s1  }
0x13c: {  	s1 =	ssub.s32 @!p0 $0x0, s1;
	[sflag:s0] =	ssyncset.done @!p0 $0x0  }
0x13d: {  	[sflag:s0] =	ssyncadd.s32 @!p0 s1  }
0x13e: {  	[bflag:$0x3] =	sbarrier.arrive $0xFFFF  }
0x13f: {  	_ =	shalt  }

</sc_bundles>
